<compile_context>
chip_gen: v7x
topology: tpu7x:2x2x1
jax: 0.10.2.dev20260603
libtpu: 0.0.44.dev20260713+nightly
codegen_flags: <defaults>
</compile_context>

<pallas_src>
import functools

import jax
import jax.numpy as jnp
from jax import lax
from jax.experimental import pallas as pl
from jax.experimental.pallas import tpu as pltpu
from jax.experimental.pallas import tpu_sc as plsc

N = 10000
E = 320000
D_IN = 128
NHID = 128
LATENT = 64

NC = 2
NS = 16
NW = NC * NS
C = 128
EP = 323584
KCH = EP // (NW * C)
NP = 10240
RPTP = NP // NS


def _mesh():
    return plsc.VectorSubcoreMesh(core_axis_name="c", subcore_axis_name="s")



def _deg_partials(dst3, zeros_n):

    @functools.partial(
        pl.kernel,
        out_type=jax.ShapeDtypeStruct((NC, 1, NP), jnp.float32),
        mesh=_mesh(),
        scratch_types=[
            pltpu.VMEM((KCH, C), jnp.int32),
            pltpu.VMEM((C,), jnp.float32),
            pltpu.VMEM_SHARED((NP,), jnp.float32),
        ],
    )
    def k(dst3_hbm, zeros_hbm, out_hbm, dst_c, ones_v, deg_sh):
        cid = lax.axis_index("c")
        sid = lax.axis_index("s")
        wid = cid * NS + sid
        rbase = sid * RPTP
        pltpu.sync_copy(zeros_hbm.at[pl.ds(rbase, RPTP)],
                        deg_sh.at[pl.ds(rbase, RPTP)])
        pltpu.sync_copy(dst3_hbm.at[wid], dst_c)
        for j in range(C // 16):
            ones_v[pl.ds(j * 16, 16)] = jnp.full((16,), 1.0, jnp.float32)
        plsc.subcore_barrier()

        def step(kk, carry):
            pltpu.sync_copy(ones_v, deg_sh.at[dst_c.at[kk]], add=True)
            return carry

        lax.fori_loop(0, KCH, step, 0)
        plsc.subcore_barrier()
        pltpu.sync_copy(deg_sh.at[pl.ds(rbase, RPTP)],
                        out_hbm.at[cid, 0, pl.ds(rbase, RPTP)])

    return k(dst3, zeros_n)


def _scatter_partials(table, src1, dst1, zeros_nd, D):

    EW = EP // NW

    @functools.partial(
        pl.kernel,
        out_type=jax.ShapeDtypeStruct((NC, NP, D), jnp.float32),
        mesh=_mesh(),
        scratch_types=[
            pltpu.VMEM((2, 1, C), jnp.int32),
            pltpu.VMEM((4, 1, C), jnp.int32),
            pltpu.VMEM((2, C, D), jnp.float32),
            pltpu.VMEM_SHARED((NP, D), jnp.float32),
            pltpu.SemaphoreType.DMA((2,)),
            pltpu.SemaphoreType.DMA((4,)),
            pltpu.SemaphoreType.DMA((2,)),
            pltpu.SemaphoreType.DMA((2,)),
        ],
    )
    def k(table_hbm, src1_hbm, dst1_hbm, zeros_hbm, out_hbm,
          sidx, didx, rows_v, acc_sh, ssem, dsem, gsem, scsem):
        cid = lax.axis_index("c")
        sid = lax.axis_index("s")
        wid = cid * NS + sid
        rbase = sid * RPTP
        ebase = wid * EW

        def iload(kk):
            b2 = lax.rem(kk, 2)
            b4 = lax.rem(kk, 4)
            off = ebase + kk * C
            pltpu.async_copy(src1_hbm.at[pl.ds(off, C)], sidx.at[b2, 0],
                             ssem.at[b2])
            pltpu.async_copy(dst1_hbm.at[pl.ds(off, C)], didx.at[b4, 0],
                             dsem.at[b4])

        def iwait(kk):
            b2 = lax.rem(kk, 2)
            b4 = lax.rem(kk, 4)
            off = ebase + kk * C
            pltpu.make_async_copy(src1_hbm.at[pl.ds(off, C)], sidx.at[b2, 0],
                                  ssem.at[b2]).wait()
            pltpu.make_async_copy(dst1_hbm.at[pl.ds(off, C)], didx.at[b4, 0],
                                  dsem.at[b4]).wait()

        def gstart(kk):
            b2 = lax.rem(kk, 2)
            pltpu.async_copy(table_hbm.at[sidx.at[b2, 0]], rows_v.at[b2],
                             gsem.at[b2])

        def gwait(kk):
            b2 = lax.rem(kk, 2)
            pltpu.make_async_copy(table_hbm.at[sidx.at[b2, 0]], rows_v.at[b2],
                                  gsem.at[b2]).wait()

        def sc_start(kk):
            b2 = lax.rem(kk, 2)
            b4 = lax.rem(kk, 4)
            pltpu.async_copy(rows_v.at[b2], acc_sh.at[didx.at[b4, 0]],
                             scsem.at[b2], add=True)

        def sc_wait(kk):
            b2 = lax.rem(kk, 2)
            b4 = lax.rem(kk, 4)
            pltpu.make_async_copy(rows_v.at[b2], acc_sh.at[didx.at[b4, 0]],
                                  scsem.at[b2]).wait()

        pltpu.sync_copy(zeros_hbm.at[pl.ds(rbase, RPTP)],
                        acc_sh.at[pl.ds(rbase, RPTP)])
        iload(0)
        iload(1)
        iwait(0)
        gstart(0)
        plsc.subcore_barrier()

        def step(kk, carry):
            gwait(kk)

            @pl.when(kk > 0)
            def _():
                sc_wait(kk - 1)

            @pl.when(kk + 1 < KCH)
            def _():
                iwait(kk + 1)
                gstart(kk + 1)

            sc_start(kk)

            @pl.when(kk + 2 < KCH)
            def _():
                iload(kk + 2)

            return carry

        lax.fori_loop(0, KCH, step, 0)
        sc_wait(KCH - 1)
        plsc.subcore_barrier()
        pltpu.sync_copy(acc_sh.at[pl.ds(rbase, RPTP)],
                        out_hbm.at[cid, pl.ds(rbase, RPTP)])

    return k(table, src1, dst1, zeros_nd)



BM = 2000
G = N // BM


def _dinv(degp_ref):
    return lax.rsqrt(degp_ref[0] + degp_ref[1] + 1.0)


def _mm1(x, W1, degp):
    def body(x_ref, w_ref, degp_ref, out_ref):
        xw = jnp.dot(x_ref[...], w_ref[...], preferred_element_type=jnp.float32)
        out_ref[...] = xw * _dinv(degp_ref)

    return pl.pallas_call(
        body,
        grid=(G,),
        in_specs=[
            pl.BlockSpec((BM, D_IN), lambda i: (i, 0)),
            pl.BlockSpec((D_IN, NHID), lambda i: (0, 0)),
            pl.BlockSpec((NC, BM, 1), lambda i: (0, i, 0)),
        ],
        out_specs=pl.BlockSpec((BM, NHID), lambda i: (i, 0)),
        out_shape=jax.ShapeDtypeStruct((N, NHID), jnp.float32),
    )(x, W1, degp)


def _mm2(s1p, scaled1, degp, b1r, W2):
    def body(s_ref, sc_ref, degp_ref, b_ref, w_ref, out_ref):
        dinv = _dinv(degp_ref)
        h = jnp.maximum((s_ref[0] + s_ref[1] + sc_ref[...]) * dinv + b_ref[...],
                        0.0)
        out_ref[...] = jnp.dot(h, w_ref[...],
                               preferred_element_type=jnp.float32) * dinv

    return pl.pallas_call(
        body,
        grid=(G,),
        in_specs=[
            pl.BlockSpec((NC, BM, NHID), lambda i: (0, i, 0)),
            pl.BlockSpec((BM, NHID), lambda i: (i, 0)),
            pl.BlockSpec((NC, BM, 1), lambda i: (0, i, 0)),
            pl.BlockSpec((1, NHID), lambda i: (0, 0)),
            pl.BlockSpec((NHID, NHID), lambda i: (0, 0)),
        ],
        out_specs=pl.BlockSpec((BM, NHID), lambda i: (i, 0)),
        out_shape=jax.ShapeDtypeStruct((N, NHID), jnp.float32),
    )(s1p, scaled1, degp, b1r, W2)


def _mm3(s2p, scaled2, degp, b2r):
    def body(s_ref, sc_ref, degp_ref, b_ref, out_ref):
        dinv = _dinv(degp_ref)
        s = s_ref[0, :, :LATENT] + s_ref[1, :, :LATENT] + sc_ref[:, :LATENT]
        out_ref[...] = jnp.maximum(s * dinv + b_ref[...], 0.0)

    return pl.pallas_call(
        body,
        grid=(G,),
        in_specs=[
            pl.BlockSpec((NC, BM, NHID), lambda i: (0, i, 0)),
            pl.BlockSpec((BM, NHID), lambda i: (i, 0)),
            pl.BlockSpec((NC, BM, 1), lambda i: (0, i, 0)),
            pl.BlockSpec((1, LATENT), lambda i: (0, 0)),
        ],
        out_specs=pl.BlockSpec((BM, LATENT), lambda i: (i, 0)),
        out_shape=jax.ShapeDtypeStruct((N, LATENT), jnp.float32),
    )(s2p, scaled2, degp, b2r)



def kernel(x, edge_index, W1, b1, W2, b2):
    npad = EP - E
    pad_src = (jnp.arange(npad, dtype=jnp.int32) * 131) % N
    pad_dst = N + (jnp.arange(npad, dtype=jnp.int32) % (NP - N))
    src1 = jnp.concatenate([edge_index[0], pad_src])
    dst1 = jnp.concatenate([edge_index[1], pad_dst])
    dst3 = dst1.reshape(NW, KCH, C)
    zeros_n = jnp.zeros((NP,), jnp.float32)
    zeros_h = jnp.zeros((NP, NHID), jnp.float32)
    W2p = jnp.concatenate([W2, jnp.zeros((NHID, NHID - LATENT), jnp.float32)],
                          axis=1)

    degp = _deg_partials(dst3, zeros_n).reshape(NC, NP, 1)
    scaled1 = _mm1(x, W1, degp)
    s1p = _scatter_partials(scaled1, src1, dst1, zeros_h, NHID)
    scaled2 = _mm2(s1p, scaled1, degp, b1.reshape(1, NHID), W2p)
    s2p = _scatter_partials(scaled2, src1, dst1, zeros_h, NHID)
    z = _mm3(s2p, scaled2, degp, b2.reshape(1, LATENT))
    return z

# --- scband reference (transcript-rebuilt; emitter-appended) ---
"""Pipeline reference for scband-gcencoder-42125039239628 (READ-ONLY COPY).

The authoritative reference and input builder live on the scoring server;
editing this copy changes nothing except your own understanding.
"""

import jax, jax.numpy as jnp
import numpy as np

N = 10000
E = 320000
D_IN = 128
NHID = 128
LATENT = 64


def setup_inputs(seed: int = 0) -> dict:
    key = jax.random.key(seed)
    k1, k2, k3, k4 = jax.random.split(key, 4)
    x = jax.random.normal(k1, (N, D_IN), dtype=jnp.float32)
    edge_index = jax.random.randint(k2, (2, E), 0, N, dtype=jnp.int32)
    # GCNConv learned parameters (glorot-ish init, zero bias)
    W1 = jax.random.normal(k3, (D_IN, NHID), dtype=jnp.float32) * (1.0 / np.sqrt(D_IN))
    b1 = jnp.zeros((NHID,), dtype=jnp.float32)
    W2 = jax.random.normal(k4, (NHID, LATENT), dtype=jnp.float32) * (1.0 / np.sqrt(NHID))
    b2 = jnp.zeros((LATENT,), dtype=jnp.float32)
    return {"x": x, "edge_index": edge_index, "W1": W1, "b1": b1, "W2": W2, "b2": b2}


def gcn_conv(x, edge_index, W, b):
    # Faithful GCNConv: add self-loops, symmetric normalization D^-1/2 A_hat D^-1/2, then X W + b
    n = x.shape[0]
    loops = jnp.arange(n, dtype=edge_index.dtype)
    ei = jnp.concatenate([edge_index, jnp.stack([loops, loops])], axis=1)
    src, dst = ei[0], ei[1]
    ones = jnp.ones((ei.shape[1],), dtype=x.dtype)
    deg = jax.ops.segment_sum(ones, dst, num_segments=n)
    dinv = jnp.where(deg > 0, 1.0 / jnp.sqrt(deg), 0.0)
    norm = dinv[src] * dinv[dst]
    xw = x @ W
    msg = xw[src] * norm[:, None]
    out = jax.ops.segment_sum(msg, dst, num_segments=n)
    return out + b


def reference(x, edge_index, W1, b1, W2, b2):
    # eval mode: dropout is identity
    h = jax.nn.relu(gcn_conv(x, edge_index, W1, b1))
    z = jax.nn.relu(gcn_conv(h, edge_index, W2, b2))
    return z

if __name__ == "__main__":
    import jax
    _d = setup_inputs()
    print(jax.jit(kernel)(*tuple(_d.values())))

</pallas_src>

<mosaic_0001>
#map = affine_map<(d0, d1) -> (0, 0, 0)>
#map1 = affine_map<(d0, d1) -> (0)>
module attributes {stable_mosaic.version = 14 : i64} {
  func.func @k(%arg0: i32, %arg1: i32, %arg2: memref<32x79x128xi32, #tpu.memory_space<hbm>>, %arg3: memref<10240xf32, #tpu.memory_space<hbm>>, %arg4: memref<2x1x10240xf32, #tpu.memory_space<hbm>>, %arg5: memref<79x128xi32, #tpu.memory_space<vmem>>, %arg6: memref<128xf32, #tpu.memory_space<vmem>>, %arg7: memref<10240xf32, #tpu.memory_space<vmem_shared>>) attributes {dimension_semantics = [#tpu.dimension_semantics<core_parallel>, #tpu.dimension_semantics<subcore_parallel>], iteration_bounds = array<i64: 2, 16>, scalar_prefetch = 0 : i64, scratch_operands = 3 : i64, tpu.core_type = #tpu.core_type<sc_vector_subcore>, window_params = [{transform_indices = #map}, {transform_indices = #map1}, {transform_indices = #map}]} {
    %mul3A = arith.constant 16 : i32
    %mul3A_0 = arith.muli %arg0, %mul3A : i32
    %add3A = arith.addi %mul3A_0, %arg1 : i32
    %mul3A_1 = arith.constant 640 : i32
    %mul3A_2 = arith.muli %arg1, %mul3A_1 : i32
    "tpu.region"() ({
      %run_scoped3A_55 = tpu.sem_alloc : memref<!tpu.dma_semaphore, #tpu.memory_space<semaphore_mem>>
      %dma_start3A = tpu.memref_slice %arg7[%mul3A_2] : memref<10240xf32, #tpu.memory_space<vmem_shared>> -> memref<640xf32, #tpu.memory_space<vmem_shared>>
      %dma_start3A_56 = tpu.memref_slice %arg3[%mul3A_2] : memref<10240xf32, #tpu.memory_space<hbm>> -> memref<640xf32, #tpu.memory_space<hbm>>
      tpu.enqueue_dma source(%dma_start3A_56 : memref<640xf32, #tpu.memory_space<hbm>>) target(%dma_start3A : memref<640xf32, #tpu.memory_space<vmem_shared>>) target_semaphore(%run_scoped3A_55 : memref<!tpu.dma_semaphore, #tpu.memory_space<semaphore_mem>>)
      %dma_wait3A = tpu.memref_slice %arg7[%mul3A_2] : memref<10240xf32, #tpu.memory_space<vmem_shared>> -> memref<640xf32, #tpu.memory_space<vmem_shared>>
      %dma_wait3A_57 = tpu.memref_slice %arg3[%mul3A_2] : memref<10240xf32, #tpu.memory_space<hbm>> -> memref<640xf32, #tpu.memory_space<hbm>>
      tpu.wait_dma2 semaphore(%run_scoped3A_55 : memref<!tpu.dma_semaphore, #tpu.memory_space<semaphore_mem>>) src(%dma_wait3A_57 : memref<640xf32, #tpu.memory_space<hbm>>) dst(%dma_wait3A : memref<640xf32, #tpu.memory_space<vmem_shared>>)
      tpu.yield
    }) : () -> ()
    "tpu.region"() ({
      %run_scoped3A_55 = tpu.sem_alloc : memref<!tpu.dma_semaphore, #tpu.memory_space<semaphore_mem>>
      %dma_start3A = arith.constant 0 : i32
      %dma_start3A_56 = arith.constant 0 : i32
      %dma_start3A_57 = tpu.memref_slice %arg2[%add3A, %dma_start3A, %dma_start3A_56] : memref<32x79x128xi32, #tpu.memory_space<hbm>> -> memref<1x79x128xi32, #tpu.memory_space<hbm>>
      %dma_start3A_58 = tpu.memref_squeeze %dma_start3A_57 : memref<1x79x128xi32, #tpu.memory_space<hbm>> -> memref<79x128xi32, #tpu.memory_space<hbm>>
      %dma_start3A_59 = arith.constant 0 : i32
      %dma_start3A_60 = arith.constant 0 : i32
      %dma_start3A_61 = tpu.memref_slice %arg2[%add3A, %dma_start3A_59, %dma_start3A_60] : memref<32x79x128xi32, #tpu.memory_space<hbm>> -> memref<1x79x128xi32, #tpu.memory_space<hbm>>
      %dma_start3A_62 = tpu.memref_squeeze %dma_start3A_61 : memref<1x79x128xi32, #tpu.memory_space<hbm>> -> memref<79x128xi32, #tpu.memory_space<hbm>>
      tpu.enqueue_dma source(%dma_start3A_62 : memref<79x128xi32, #tpu.memory_space<hbm>>) target(%arg5 : memref<79x128xi32, #tpu.memory_space<vmem>>) target_semaphore(%run_scoped3A_55 : memref<!tpu.dma_semaphore, #tpu.memory_space<semaphore_mem>>)
      %dma_wait3A = arith.constant 0 : i32
      %dma_wait3A_63 = arith.constant 0 : i32
      %dma_wait3A_64 = tpu.memref_slice %arg2[%add3A, %dma_wait3A, %dma_wait3A_63] : memref<32x79x128xi32, #tpu.memory_space<hbm>> -> memref<1x79x128xi32, #tpu.memory_space<hbm>>
      %dma_wait3A_65 = tpu.memref_squeeze %dma_wait3A_64 : memref<1x79x128xi32, #tpu.memory_space<hbm>> -> memref<79x128xi32, #tpu.memory_space<hbm>>
      %dma_wait3A_66 = arith.constant 0 : i32
      %dma_wait3A_67 = arith.constant 0 : i32
      %dma_wait3A_68 = tpu.memref_slice %arg2[%add3A, %dma_wait3A_66, %dma_wait3A_67] : memref<32x79x128xi32, #tpu.memory_space<hbm>> -> memref<1x79x128xi32, #tpu.memory_space<hbm>>
      %dma_wait3A_69 = tpu.memref_squeeze %dma_wait3A_68 : memref<1x79x128xi32, #tpu.memory_space<hbm>> -> memref<79x128xi32, #tpu.memory_space<hbm>>
      tpu.wait_dma2 semaphore(%run_scoped3A_55 : memref<!tpu.dma_semaphore, #tpu.memory_space<semaphore_mem>>) src(%dma_wait3A_69 : memref<79x128xi32, #tpu.memory_space<hbm>>) dst(%arg5 : memref<79x128xi32, #tpu.memory_space<vmem>>)
      tpu.yield
    }) : () -> ()
    %broadcast_in_dim3A = arith.constant 1.000000e+00 : f32
    %broadcast_in_dim3A_3 = vector.broadcast %broadcast_in_dim3A : f32 to vector<16xf32>
    %swap3A = arith.constant 0 : index
    %swap3A_4 = tpu.vector_load %arg6[%swap3A] {strides = array<i32>} : memref<128xf32, #tpu.memory_space<vmem>>, vector<16xf32>,
    %swap3A_5 = vector.shape_cast %swap3A_4 : vector<16xf32> to vector<16xf32>
    %swap3A_6 = vector.shape_cast %broadcast_in_dim3A_3 : vector<16xf32> to vector<16xf32>
    tpu.vector_store %arg6[%swap3A], %swap3A_6 {strides = array<i32>} : memref<128xf32, #tpu.memory_space<vmem>>, vector<16xf32>,
    %broadcast_in_dim3A_7 = arith.constant 1.000000e+00 : f32
    %broadcast_in_dim3A_8 = vector.broadcast %broadcast_in_dim3A_7 : f32 to vector<16xf32>
    %swap3A_9 = arith.constant 16 : index
    %swap3A_10 = tpu.vector_load %arg6[%swap3A_9] {strides = array<i32>} : memref<128xf32, #tpu.memory_space<vmem>>, vector<16xf32>,
    %swap3A_11 = vector.shape_cast %swap3A_10 : vector<16xf32> to vector<16xf32>
    %swap3A_12 = vector.shape_cast %broadcast_in_dim3A_8 : vector<16xf32> to vector<16xf32>
    tpu.vector_store %arg6[%swap3A_9], %swap3A_12 {strides = array<i32>} : memref<128xf32, #tpu.memory_space<vmem>>, vector<16xf32>,
    %broadcast_in_dim3A_13 = arith.constant 1.000000e+00 : f32
    %broadcast_in_dim3A_14 = vector.broadcast %broadcast_in_dim3A_13 : f32 to vector<16xf32>
    %swap3A_15 = arith.constant 32 : index
    %swap3A_16 = tpu.vector_load %arg6[%swap3A_15] {strides = array<i32>} : memref<128xf32, #tpu.memory_space<vmem>>, vector<16xf32>,
    %swap3A_17 = vector.shape_cast %swap3A_16 : vector<16xf32> to vector<16xf32>
    %swap3A_18 = vector.shape_cast %broadcast_in_dim3A_14 : vector<16xf32> to vector<16xf32>
    tpu.vector_store %arg6[%swap3A_15], %swap3A_18 {strides = array<i32>} : memref<128xf32, #tpu.memory_space<vmem>>, vector<16xf32>,
    %broadcast_in_dim3A_19 = arith.constant 1.000000e+00 : f32
    %broadcast_in_dim3A_20 = vector.broadcast %broadcast_in_dim3A_19 : f32 to vector<16xf32>
    %swap3A_21 = arith.constant 48 : index
    %swap3A_22 = tpu.vector_load %arg6[%swap3A_21] {strides = array<i32>} : memref<128xf32, #tpu.memory_space<vmem>>, vector<16xf32>,
    %swap3A_23 = vector.shape_cast %swap3A_22 : vector<16xf32> to vector<16xf32>
    %swap3A_24 = vector.shape_cast %broadcast_in_dim3A_20 : vector<16xf32> to vector<16xf32>
    tpu.vector_store %arg6[%swap3A_21], %swap3A_24 {strides = array<i32>} : memref<128xf32, #tpu.memory_space<vmem>>, vector<16xf32>,
    %broadcast_in_dim3A_25 = arith.constant 1.000000e+00 : f32
    %broadcast_in_dim3A_26 = vector.broadcast %broadcast_in_dim3A_25 : f32 to vector<16xf32>
    %swap3A_27 = arith.constant 64 : index
    %swap3A_28 = tpu.vector_load %arg6[%swap3A_27] {strides = array<i32>} : memref<128xf32, #tpu.memory_space<vmem>>, vector<16xf32>,
    %swap3A_29 = vector.shape_cast %swap3A_28 : vector<16xf32> to vector<16xf32>
    %swap3A_30 = vector.shape_cast %broadcast_in_dim3A_26 : vector<16xf32> to vector<16xf32>
    tpu.vector_store %arg6[%swap3A_27], %swap3A_30 {strides = array<i32>} : memref<128xf32, #tpu.memory_space<vmem>>, vector<16xf32>,
    %broadcast_in_dim3A_31 = arith.constant 1.000000e+00 : f32
    %broadcast_in_dim3A_32 = vector.broadcast %broadcast_in_dim3A_31 : f32 to vector<16xf32>
    %swap3A_33 = arith.constant 80 : index
    %swap3A_34 = tpu.vector_load %arg6[%swap3A_33] {strides = array<i32>} : memref<128xf32, #tpu.memory_space<vmem>>, vector<16xf32>,
    %swap3A_35 = vector.shape_cast %swap3A_34 : vector<16xf32> to vector<16xf32>
    %swap3A_36 = vector.shape_cast %broadcast_in_dim3A_32 : vector<16xf32> to vector<16xf32>
    tpu.vector_store %arg6[%swap3A_33], %swap3A_36 {strides = array<i32>} : memref<128xf32, #tpu.memory_space<vmem>>, vector<16xf32>,
    %broadcast_in_dim3A_37 = arith.constant 1.000000e+00 : f32
    %broadcast_in_dim3A_38 = vector.broadcast %broadcast_in_dim3A_37 : f32 to vector<16xf32>
    %swap3A_39 = arith.constant 96 : index
    %swap3A_40 = tpu.vector_load %arg6[%swap3A_39] {strides = array<i32>} : memref<128xf32, #tpu.memory_space<vmem>>, vector<16xf32>,
    %swap3A_41 = vector.shape_cast %swap3A_40 : vector<16xf32> to vector<16xf32>
    %swap3A_42 = vector.shape_cast %broadcast_in_dim3A_38 : vector<16xf32> to vector<16xf32>
    tpu.vector_store %arg6[%swap3A_39], %swap3A_42 {strides = array<i32>} : memref<128xf32, #tpu.memory_space<vmem>>, vector<16xf32>,
    %broadcast_in_dim3A_43 = arith.constant 1.000000e+00 : f32
    %broadcast_in_dim3A_44 = vector.broadcast %broadcast_in_dim3A_43 : f32 to vector<16xf32>
    %swap3A_45 = arith.constant 112 : index
    %swap3A_46 = tpu.vector_load %arg6[%swap3A_45] {strides = array<i32>} : memref<128xf32, #tpu.memory_space<vmem>>, vector<16xf32>,
    %swap3A_47 = vector.shape_cast %swap3A_46 : vector<16xf32> to vector<16xf32>
    %swap3A_48 = vector.shape_cast %broadcast_in_dim3A_44 : vector<16xf32> to vector<16xf32>
    tpu.vector_store %arg6[%swap3A_45], %swap3A_48 {strides = array<i32>} : memref<128xf32, #tpu.memory_space<vmem>>, vector<16xf32>,
    %barrier3A = arith.constant 0 : index
    tpu.barrier barrier_id(%barrier3A)
    %scan3A = arith.constant 0 : i32
    %scan3A_49 = arith.constant 0 : i32
    %scan3A_50 = arith.constant 79 : i32
    %scan3A_51 = arith.addi %scan3A_49, %scan3A_50 : i32
    %scan3A_52 = arith.constant 1 : i32
    scf.for %scan3A_55 = %scan3A_49 to %scan3A_51 step %scan3A_52  : i32 {
      "tpu.region"() ({
        %run_scoped3A_56 = tpu.sem_alloc : memref<!tpu.dma_semaphore, #tpu.memory_space<semaphore_mem>>
        %dma_start3A = arith.constant 0 : i32
        %dma_start3A_57 = tpu.memref_slice %arg5[%scan3A_55, %dma_start3A] : memref<79x128xi32, #tpu.memory_space<vmem>> -> memref<1x128xi32, #tpu.memory_space<vmem>>
        %dma_start3A_58 = tpu.memref_squeeze %dma_start3A_57 : memref<1x128xi32, #tpu.memory_space<vmem>> -> memref<128xi32, #tpu.memory_space<vmem>>
        %dma_start3A_59 = arith.constant 0 : i32
        %dma_start3A_60 = tpu.memref_slice %arg7[%dma_start3A_59] : memref<10240xf32, #tpu.memory_space<vmem_shared>> -> memref<10240xf32, #tpu.memory_space<vmem_shared>>
        tpu.enqueue_indirect_dma source(%arg6 : memref<128xf32, #tpu.memory_space<vmem>>) target(%dma_start3A_60 : memref<10240xf32, #tpu.memory_space<vmem_shared>>) offsets(%dma_start3A_58 : memref<128xi32, #tpu.memory_space<vmem>>) semaphore(%run_scoped3A_56 : memref<!tpu.dma_semaphore, #tpu.memory_space<semaphore_mem>>) {add = true}
        %dma_wait3A = arith.constant 0 : i32
        %dma_wait3A_61 = tpu.memref_slice %arg5[%scan3A_55, %dma_wait3A] : memref<79x128xi32, #tpu.memory_space<vmem>> -> memref<1x128xi32, #tpu.memory_space<vmem>>
        %dma_wait3A_62 = tpu.memref_squeeze %dma_wait3A_61 : memref<1x128xi32, #tpu.memory_space<vmem>> -> memref<128xi32, #tpu.memory_space<vmem>>
        %dma_wait3A_63 = arith.constant 0 : i32
        %dma_wait3A_64 = tpu.memref_slice %arg7[%dma_wait3A_63] : memref<10240xf32, #tpu.memory_space<vmem_shared>> -> memref<10240xf32, #tpu.memory_space<vmem_shared>>
        tpu.wait_indirect_dma semaphore(%run_scoped3A_56 : memref<!tpu.dma_semaphore, #tpu.memory_space<semaphore_mem>>) src(%arg6 : memref<128xf32, #tpu.memory_space<vmem>>) dst(%dma_wait3A_64 : memref<10240xf32, #tpu.memory_space<vmem_shared>>)
        tpu.yield
      }) : () -> ()
    }
    %scan3A_53 = arith.constant 79 : i32
    %barrier3A_54 = arith.constant 0 : index
    tpu.barrier barrier_id(%barrier3A_54)
    %run_scoped3A = arith.constant 0 : i32
    "tpu.region"() ({
      %run_scoped3A_55 = tpu.sem_alloc : memref<!tpu.dma_semaphore, #tpu.memory_space<semaphore_mem>>
      %dma_start3A = tpu.memref_slice %arg4[%arg0, %run_scoped3A, %mul3A_2] : memref<2x1x10240xf32, #tpu.memory_space<hbm>> -> memref<1x1x640xf32, #tpu.memory_space<hbm>>
      %dma_start3A_56 = tpu.memref_squeeze %dma_start3A : memref<1x1x640xf32, #tpu.memory_space<hbm>> -> memref<640xf32, #tpu.memory_space<hbm>>
      %dma_start3A_57 = tpu.memref_slice %arg7[%mul3A_2] : memref<10240xf32, #tpu.memory_space<vmem_shared>> -> memref<640xf32, #tpu.memory_space<vmem_shared>>
      tpu.enqueue_dma source(%dma_start3A_57 : memref<640xf32, #tpu.memory_space<vmem_shared>>) target(%dma_start3A_56 : memref<640xf32, #tpu.memory_space<hbm>>) target_semaphore(%run_scoped3A_55 : memref<!tpu.dma_semaphore, #tpu.memory_space<semaphore_mem>>)
      %dma_wait3A = tpu.memref_slice %arg4[%arg0, %run_scoped3A, %mul3A_2] : memref<2x1x10240xf32, #tpu.memory_space<hbm>> -> memref<1x1x640xf32, #tpu.memory_space<hbm>>
      %dma_wait3A_58 = tpu.memref_squeeze %dma_wait3A : memref<1x1x640xf32, #tpu.memory_space<hbm>> -> memref<640xf32, #tpu.memory_space<hbm>>
      %dma_wait3A_59 = tpu.memref_slice %arg7[%mul3A_2] : memref<10240xf32, #tpu.memory_space<vmem_shared>> -> memref<640xf32, #tpu.memory_space<vmem_shared>>
      tpu.wait_dma2 semaphore(%run_scoped3A_55 : memref<!tpu.dma_semaphore, #tpu.memory_space<semaphore_mem>>) src(%dma_wait3A_59 : memref<640xf32, #tpu.memory_space<vmem_shared>>) dst(%dma_wait3A_58 : memref<640xf32, #tpu.memory_space<hbm>>)
      tpu.yield
    }) : () -> ()
    return
  }
}

#map = affine_map<(d0, d1) -> (0, 0)>
#map1 = affine_map<(d0, d1) -> (0)>
#map2 = affine_map<(d0, d1) -> (0, 0, 0)>
module attributes {stable_mosaic.version = 14 : i64} {
  func.func @k(%arg0: i32, %arg1: i32, %arg2: memref<10000x128xf32, #tpu.memory_space<hbm>>, %arg3: memref<323584xi32, #tpu.memory_space<hbm>>, %arg4: memref<323584xi32, #tpu.memory_space<hbm>>, %arg5: memref<10240x128xf32, #tpu.memory_space<hbm>>, %arg6: memref<2x10240x128xf32, #tpu.memory_space<hbm>>, %arg7: memref<2x1x128xi32, #tpu.memory_space<vmem>>, %arg8: memref<4x1x128xi32, #tpu.memory_space<vmem>>, %arg9: memref<2x128x128xf32, #tpu.memory_space<vmem>>, %arg10: memref<10240x128xf32, #tpu.memory_space<vmem_shared>>, %arg11: memref<2x!tpu.dma_semaphore, #tpu.memory_space<semaphore_mem>>, %arg12: memref<4x!tpu.dma_semaphore, #tpu.memory_space<semaphore_mem>>, %arg13: memref<2x!tpu.dma_semaphore, #tpu.memory_space<semaphore_mem>>, %arg14: memref<2x!tpu.dma_semaphore, #tpu.memory_space<semaphore_mem>>) attributes {dimension_semantics = [#tpu.dimension_semantics<core_parallel>, #tpu.dimension_semantics<subcore_parallel>], iteration_bounds = array<i64: 2, 16>, scalar_prefetch = 0 : i64, scratch_operands = 8 : i64, tpu.core_type = #tpu.core_type<sc_vector_subcore>, window_params = [{transform_indices = #map}, {transform_indices = #map1}, {transform_indices = #map1}, {transform_indices = #map}, {transform_indices = #map2}]} {
    %mul3A = arith.constant 16 : i32
    %mul3A_0 = arith.muli %arg0, %mul3A : i32
    %add3A = arith.addi %mul3A_0, %arg1 : i32
    %mul3A_1 = arith.constant 640 : i32
    %mul3A_2 = arith.muli %arg1, %mul3A_1 : i32
    %mul3A_3 = arith.constant 10112 : i32
    %mul3A_4 = arith.muli %add3A, %mul3A_3 : i32
    "tpu.region"() ({
      %run_scoped3A = tpu.sem_alloc : memref<!tpu.dma_semaphore, #tpu.memory_space<semaphore_mem>>
      %dma_start3A_133 = arith.constant 0 : i32
      %dma_start3A_134 = tpu.memref_slice %arg10[%mul3A_2, %dma_start3A_133] : memref<10240x128xf32, #tpu.memory_space<vmem_shared>> -> memref<640x128xf32, #tpu.memory_space<vmem_shared>>
      %dma_start3A_135 = arith.constant 0 : i32
      %dma_start3A_136 = tpu.memref_slice %arg5[%mul3A_2, %dma_start3A_135] : memref<10240x128xf32, #tpu.memory_space<hbm>> -> memref<640x128xf32, #tpu.memory_space<hbm>>
      tpu.enqueue_dma source(%dma_start3A_136 : memref<640x128xf32, #tpu.memory_space<hbm>>) target(%dma_start3A_134 : memref<640x128xf32, #tpu.memory_space<vmem_shared>>) target_semaphore(%run_scoped3A : memref<!tpu.dma_semaphore, #tpu.memory_space<semaphore_mem>>)
      %dma_wait3A_137 = arith.constant 0 : i32
      %dma_wait3A_138 = tpu.memref_slice %arg10[%mul3A_2, %dma_wait3A_137] : memref<10240x128xf32, #tpu.memory_space<vmem_shared>> -> memref<640x128xf32, #tpu.memory_space<vmem_shared>>
      %dma_wait3A_139 = arith.constant 0 : i32
      %dma_wait3A_140 = tpu.memref_slice %arg5[%mul3A_2, %dma_wait3A_139] : memref<10240x128xf32, #tpu.memory_space<hbm>> -> memref<640x128xf32, #tpu.memory_space<hbm>>
      tpu.wait_dma2 semaphore(%run_scoped3A : memref<!tpu.dma_semaphore, #tpu.memory_space<semaphore_mem>>) src(%dma_wait3A_140 : memref<640x128xf32, #tpu.memory_space<hbm>>) dst(%dma_wait3A_138 : memref<640x128xf32, #tpu.memory_space<vmem_shared>>)
      tpu.yield
    }) : () -> ()
    %rem3A = arith.constant 0 : i32
    %rem3A_5 = arith.constant 2 : i32
    %rem3A_6 = arith.remsi %rem3A, %rem3A_5 : i32
    %rem3A_7 = arith.constant 0 : i32
    %rem3A_8 = arith.constant 4 : i32
    %rem3A_9 = arith.remsi %rem3A_7, %rem3A_8 : i32
    %add3A_10 = arith.constant 0 : i32
    %add3A_11 = arith.addi %mul3A_4, %add3A_10 : i32
    %dma_start3A = arith.constant 0 : i32
    %dma_start3A_12 = arith.constant 0 : i32
    %dma_start3A_13 = tpu.memref_slice %arg7[%rem3A_6, %dma_start3A, %dma_start3A_12] : memref<2x1x128xi32, #tpu.memory_space<vmem>> -> memref<1x1x128xi32, #tpu.memory_space<vmem>>
    %dma_start3A_14 = tpu.memref_squeeze %dma_start3A_13 : memref<1x1x128xi32, #tpu.memory_space<vmem>> -> memref<128xi32, #tpu.memory_space<vmem>>
    %dma_start3A_15 = tpu.memref_slice %arg3[%add3A_11] : memref<323584xi32, #tpu.memory_space<hbm>> -> memref<128xi32, #tpu.memory_space<hbm>>
    %dma_start3A_16 = tpu.memref_slice %arg11[%rem3A_6] : memref<2x!tpu.dma_semaphore, #tpu.memory_space<semaphore_mem>> -> memref<1x!tpu.dma_semaphore, #tpu.memory_space<semaphore_mem>>
    %dma_start3A_17 = tpu.memref_squeeze %dma_start3A_16 : memref<1x!tpu.dma_semaphore, #tpu.memory_space<semaphore_mem>> -> memref<!tpu.dma_semaphore, #tpu.memory_space<semaphore_mem>>
    %dma_start3A_18 = arith.constant 0 : i32
    %dma_start3A_19 = tpu.memref_slice %arg7[%rem3A_6, %dma_start3A, %dma_start3A_18] : memref<2x1x128xi32, #tpu.memory_space<vmem>> -> memref<1x1x128xi32, #tpu.memory_space<vmem>>
    %dma_start3A_20 = tpu.memref_squeeze %dma_start3A_19 : memref<1x1x128xi32, #tpu.memory_space<vmem>> -> memref<128xi32, #tpu.memory_space<vmem>>
    %dma_start3A_21 = tpu.memref_slice %arg3[%add3A_11] : memref<323584xi32, #tpu.memory_space<hbm>> -> memref<128xi32, #tpu.memory_space<hbm>>
    tpu.enqueue_dma source(%dma_start3A_21 : memref<128xi32, #tpu.memory_space<hbm>>) target(%dma_start3A_20 : memref<128xi32, #tpu.memory_space<vmem>>) target_semaphore(%dma_start3A_17 : memref<!tpu.dma_semaphore, #tpu.memory_space<semaphore_mem>>)
    %dma_start3A_22 = arith.constant 0 : i32
    %dma_start3A_23 = arith.constant 0 : i32
    %dma_start3A_24 = tpu.memref_slice %arg8[%rem3A_9, %dma_start3A_22, %dma_start3A_23] : memref<4x1x128xi32, #tpu.memory_space<vmem>> -> memref<1x1x128xi32, #tpu.memory_space<vmem>>
    %dma_start3A_25 = tpu.memref_squeeze %dma_start3A_24 : memref<1x1x128xi32, #tpu.memory_space<vmem>> -> memref<128xi32, #tpu.memory_space<vmem>>
    %dma_start3A_26 = tpu.memref_slice %arg4[%add3A_11] : memref<323584xi32, #tpu.memory_space<hbm>> -> memref<128xi32, #tpu.memory_space<hbm>>
    %dma_start3A_27 = tpu.memref_slice %arg12[%rem3A_9] : memref<4x!tpu.dma_semaphore, #tpu.memory_space<semaphore_mem>> -> memref<1x!tpu.dma_semaphore, #tpu.memory_space<semaphore_mem>>
    %dma_start3A_28 = tpu.memref_squeeze %dma_start3A_27 : memref<1x!tpu.dma_semaphore, #tpu.memory_space<semaphore_mem>> -> memref<!tpu.dma_semaphore, #tpu.memory_space<semaphore_mem>>
    %dma_start3A_29 = arith.constant 0 : i32
    %dma_start3A_30 = tpu.memref_slice %arg8[%rem3A_9, %dma_start3A_22, %dma_start3A_29] : memref<4x1x128xi32, #tpu.memory_space<vmem>> -> memref<1x1x128xi32, #tpu.memory_space<vmem>>
    %dma_start3A_31 = tpu.memref_squeeze %dma_start3A_30 : memref<1x1x128xi32, #tpu.memory_space<vmem>> -> memref<128xi32, #tpu.memory_space<vmem>>
    %dma_start3A_32 = tpu.memref_slice %arg4[%add3A_11] : memref<323584xi32, #tpu.memory_space<hbm>> -> memref<128xi32, #tpu.memory_space<hbm>>
    tpu.enqueue_dma source(%dma_start3A_32 : memref<128xi32, #tpu.memory_space<hbm>>) target(%dma_start3A_31 : memref<128xi32, #tpu.memory_space<vmem>>) target_semaphore(%dma_start3A_28 : memref<!tpu.dma_semaphore, #tpu.memory_space<semaphore_mem>>)
    %rem3A_33 = arith.constant 1 : i32
    %rem3A_34 = arith.constant 2 : i32
    %rem3A_35 = arith.remsi %rem3A_33, %rem3A_34 : i32
    %rem3A_36 = arith.constant 1 : i32
    %rem3A_37 = arith.constant 4 : i32
    %rem3A_38 = arith.remsi %rem3A_36, %rem3A_37 : i32
    %add3A_39 = arith.constant 128 : i32
    %add3A_40 = arith.addi %mul3A_4, %add3A_39 : i32
    %dma_start3A_41 = arith.constant 0 : i32
    %dma_start3A_42 = arith.constant 0 : i32
    %dma_start3A_43 = tpu.memref_slice %arg7[%rem3A_35, %dma_start3A_41, %dma_start3A_42] : memref<2x1x128xi32, #tpu.memory_space<vmem>> -> memref<1x1x128xi32, #tpu.memory_space<vmem>>
    %dma_start3A_44 = tpu.memref_squeeze %dma_start3A_43 : memref<1x1x128xi32, #tpu.memory_space<vmem>> -> memref<128xi32, #tpu.memory_space<vmem>>
    %dma_start3A_45 = tpu.memref_slice %arg3[%add3A_40] : memref<323584xi32, #tpu.memory_space<hbm>> -> memref<128xi32, #tpu.memory_space<hbm>>
    %dma_start3A_46 = tpu.memref_slice %arg11[%rem3A_35] : memref<2x!tpu.dma_semaphore, #tpu.memory_space<semaphore_mem>> -> memref<1x!tpu.dma_semaphore, #tpu.memory_space<semaphore_mem>>
    %dma_start3A_47 = tpu.memref_squeeze %dma_start3A_46 : memref<1x!tpu.dma_semaphore, #tpu.memory_space<semaphore_mem>> -> memref<!tpu.dma_semaphore, #tpu.memory_space<semaphore_mem>>
    %dma_start3A_48 = arith.constant 0 : i32
    %dma_start3A_49 = tpu.memref_slice %arg7[%rem3A_35, %dma_start3A_41, %dma_start3A_48] : memref<2x1x128xi32, #tpu.memory_space<vmem>> -> memref<1x1x128xi32, #tpu.memory_space<vmem>>
    %dma_start3A_50 = tpu.memref_squeeze %dma_start3A_49 : memref<1x1x128xi32, #tpu.memory_space<vmem>> -> memref<128xi32, #tpu.memory_space<vmem>>
    %dma_start3A_51 = tpu.memref_slice %arg3[%add3A_40] : memref<323584xi32, #tpu.memory_space<hbm>> -> memref<128xi32, #tpu.memory_space<hbm>>
    tpu.enqueue_dma source(%dma_start3A_51 : memref<128xi32, #tpu.memory_space<hbm>>) target(%dma_start3A_50 : memref<128xi32, #tpu.memory_space<vmem>>) target_semaphore(%dma_start3A_47 : memref<!tpu.dma_semaphore, #tpu.memory_space<semaphore_mem>>)
    %dma_start3A_52 = arith.constant 0 : i32
    %dma_start3A_53 = arith.constant 0 : i32
    %dma_start3A_54 = tpu.memref_slice %arg8[%rem3A_38, %dma_start3A_52, %dma_start3A_53] : memref<4x1x128xi32, #tpu.memory_space<vmem>> -> memref<1x1x128xi32, #tpu.memory_space<vmem>>
    %dma_start3A_55 = tpu.memref_squeeze %dma_start3A_54 : memref<1x1x128xi32, #tpu.memory_space<vmem>> -> memref<128xi32, #tpu.memory_space<vmem>>
    %dma_start3A_56 = tpu.memref_slice %arg4[%add3A_40] : memref<323584xi32, #tpu.memory_space<hbm>> -> memref<128xi32, #tpu.memory_space<hbm>>
    %dma_start3A_57 = tpu.memref_slice %arg12[%rem3A_38] : memref<4x!tpu.dma_semaphore, #tpu.memory_space<semaphore_mem>> -> memref<1x!tpu.dma_semaphore, #tpu.memory_space<semaphore_mem>>
    %dma_start3A_58 = tpu.memref_squeeze %dma_start3A_57 : memref<1x!tpu.dma_semaphore, #tpu.memory_space<semaphore_mem>> -> memref<!tpu.dma_semaphore, #tpu.memory_space<semaphore_mem>>
    %dma_start3A_59 = arith.constant 0 : i32
    %dma_start3A_60 = tpu.memref_slice %arg8[%rem3A_38, %dma_start3A_52, %dma_start3A_59] : memref<4x1x128xi32, #tpu.memory_space<vmem>> -> memref<1x1x128xi32, #tpu.memory_space<vmem>>
    %dma_start3A_61 = tpu.memref_squeeze %dma_start3A_60 : memref<1x1x128xi32, #tpu.memory_space<vmem>> -> memref<128xi32, #tpu.memory_space<vmem>>
    %dma_start3A_62 = tpu.memref_slice %arg4[%add3A_40] : memref<323584xi32, #tpu.memory_space<hbm>> -> memref<128xi32, #tpu.memory_space<hbm>>
    tpu.enqueue_dma source(%dma_start3A_62 : memref<128xi32, #tpu.memory_space<hbm>>) target(%dma_start3A_61 : memref<128xi32, #tpu.memory_space<vmem>>) target_semaphore(%dma_start3A_58 : memref<!tpu.dma_semaphore, #tpu.memory_space<semaphore_mem>>)
    %rem3A_63 = arith.constant 0 : i32
    %rem3A_64 = arith.constant 2 : i32
    %rem3A_65 = arith.remsi %rem3A_63, %rem3A_64 : i32
    %rem3A_66 = arith.constant 0 : i32
    %rem3A_67 = arith.constant 4 : i32
    %rem3A_68 = arith.remsi %rem3A_66, %rem3A_67 : i32
    %add3A_69 = arith.constant 0 : i32
    %add3A_70 = arith.addi %mul3A_4, %add3A_69 : i32
    %dma_wait3A = arith.constant 0 : i32
    %dma_wait3A_71 = arith.constant 0 : i32
    %dma_wait3A_72 = tpu.memref_slice %arg7[%rem3A_65, %dma_wait3A, %dma_wait3A_71] : memref<2x1x128xi32, #tpu.memory_space<vmem>> -> memref<1x1x128xi32, #tpu.memory_space<vmem>>
    %dma_wait3A_73 = tpu.memref_squeeze %dma_wait3A_72 : memref<1x1x128xi32, #tpu.memory_space<vmem>> -> memref<128xi32, #tpu.memory_space<vmem>>
    %dma_wait3A_74 = tpu.memref_slice %arg3[%add3A_70] : memref<323584xi32, #tpu.memory_space<hbm>> -> memref<128xi32, #tpu.memory_space<hbm>>
    %dma_wait3A_75 = tpu.memref_slice %arg11[%rem3A_65] : memref<2x!tpu.dma_semaphore, #tpu.memory_space<semaphore_mem>> -> memref<1x!tpu.dma_semaphore, #tpu.memory_space<semaphore_mem>>
    %dma_wait3A_76 = tpu.memref_squeeze %dma_wait3A_75 : memref<1x!tpu.dma_semaphore, #tpu.memory_space<semaphore_mem>> -> memref<!tpu.dma_semaphore, #tpu.memory_space<semaphore_mem>>
    %dma_wait3A_77 = arith.constant 0 : i32
    %dma_wait3A_78 = tpu.memref_slice %arg7[%rem3A_65, %dma_wait3A, %dma_wait3A_77] : memref<2x1x128xi32, #tpu.memory_space<vmem>> -> memref<1x1x128xi32, #tpu.memory_space<vmem>>
    %dma_wait3A_79 = tpu.memref_squeeze %dma_wait3A_78 : memref<1x1x128xi32, #tpu.memory_space<vmem>> -> memref<128xi32, #tpu.memory_space<vmem>>
    %dma_wait3A_80 = tpu.memref_slice %arg3[%add3A_70] : memref<323584xi32, #tpu.memory_space<hbm>> -> memref<128xi32, #tpu.memory_space<hbm>>
    tpu.wait_dma2 semaphore(%dma_wait3A_76 : memref<!tpu.dma_semaphore, #tpu.memory_space<semaphore_mem>>) src(%dma_wait3A_80 : memref<128xi32, #tpu.memory_space<hbm>>) dst(%dma_wait3A_79 : memref<128xi32, #tpu.memory_space<vmem>>)
    %dma_wait3A_81 = arith.constant 0 : i32
    %dma_wait3A_82 = arith.constant 0 : i32
    %dma_wait3A_83 = tpu.memref_slice %arg8[%rem3A_68, %dma_wait3A_81, %dma_wait3A_82] : memref<4x1x128xi32, #tpu.memory_space<vmem>> -> memref<1x1x128xi32, #tpu.memory_space<vmem>>
    %dma_wait3A_84 = tpu.memref_squeeze %dma_wait3A_83 : memref<1x1x128xi32, #tpu.memory_space<vmem>> -> memref<128xi32, #tpu.memory_space<vmem>>
    %dma_wait3A_85 = tpu.memref_slice %arg4[%add3A_70] : memref<323584xi32, #tpu.memory_space<hbm>> -> memref<128xi32, #tpu.memory_space<hbm>>
    %dma_wait3A_86 = tpu.memref_slice %arg12[%rem3A_68] : memref<4x!tpu.dma_semaphore, #tpu.memory_space<semaphore_mem>> -> memref<1x!tpu.dma_semaphore, #tpu.memory_space<semaphore_mem>>
    %dma_wait3A_87 = tpu.memref_squeeze %dma_wait3A_86 : memref<1x!tpu.dma_semaphore, #tpu.memory_space<semaphore_mem>> -> memref<!tpu.dma_semaphore, #tpu.memory_space<semaphore_mem>>
    %dma_wait3A_88 = arith.constant 0 : i32
    %dma_wait3A_89 = tpu.memref_slice %arg8[%rem3A_68, %dma_wait3A_81, %dma_wait3A_88] : memref<4x1x128xi32, #tpu.memory_space<vmem>> -> memref<1x1x128xi32, #tpu.memory_space<vmem>>
    %dma_wait3A_90 = tpu.memref_squeeze %dma_wait3A_89 : memref<1x1x128xi32, #tpu.memory_space<vmem>> -> memref<128xi32, #tpu.memory_space<vmem>>
    %dma_wait3A_91 = tpu.memref_slice %arg4[%add3A_70] : memref<323584xi32, #tpu.memory_space<hbm>> -> memref<128xi32, #tpu.memory_space<hbm>>
    tpu.wait_dma2 semaphore(%dma_wait3A_87 : memref<!tpu.dma_semaphore, #tpu.memory_space<semaphore_mem>>) src(%dma_wait3A_91 : memref<128xi32, #tpu.memory_space<hbm>>) dst(%dma_wait3A_90 : memref<128xi32, #tpu.memory_space<vmem>>)
    %rem3A_92 = arith.constant 0 : i32
    %rem3A_93 = arith.constant 2 : i32
    %rem3A_94 = arith.remsi %rem3A_92, %rem3A_93 : i32
    %dma_start3A_95 = arith.constant 0 : i32
    %dma_start3A_96 = arith.constant 0 : i32
    %dma_start3A_97 = arith.constant 0 : i32
    %dma_start3A_98 = tpu.memref_slice %arg9[%rem3A_94, %dma_start3A_96, %dma_start3A_97] : memref<2x128x128xf32, #tpu.memory_space<vmem>> -> memref<1x128x128xf32, #tpu.memory_space<vmem>>
    %dma_start3A_99 = tpu.memref_squeeze %dma_start3A_98 : memref<1x128x128xf32, #tpu.memory_space<vmem>> -> memref<128x128xf32, #tpu.memory_space<vmem>>
    %dma_start3A_100 = arith.constant 0 : i32
    %dma_start3A_101 = tpu.memref_slice %arg7[%rem3A_94, %dma_start3A_95, %dma_start3A_100] : memref<2x1x128xi32, #tpu.memory_space<vmem>> -> memref<1x1x128xi32, #tpu.memory_space<vmem>>
    %dma_start3A_102 = tpu.memref_squeeze %dma_start3A_101 : memref<1x1x128xi32, #tpu.memory_space<vmem>> -> memref<128xi32, #tpu.memory_space<vmem>>
    %dma_start3A_103 = arith.constant 0 : i32
    %dma_start3A_104 = arith.constant 0 : i32
    %dma_start3A_105 = tpu.memref_slice %arg2[%dma_start3A_103, %dma_start3A_104] : memref<10000x128xf32, #tpu.memory_space<hbm>> -> memref<10000x128xf32, #tpu.memory_space<hbm>>
    %dma_start3A_106 = tpu.memref_slice %arg13[%rem3A_94] : memref<2x!tpu.dma_semaphore, #tpu.memory_space<semaphore_mem>> -> memref<1x!tpu.dma_semaphore, #tpu.memory_space<semaphore_mem>>
    %dma_start3A_107 = tpu.memref_squeeze %dma_start3A_106 : memref<1x!tpu.dma_semaphore, #tpu.memory_space<semaphore_mem>> -> memref<!tpu.dma_semaphore, #tpu.memory_space<semaphore_mem>>
    tpu.enqueue_indirect_dma source(%dma_start3A_105 : memref<10000x128xf32, #tpu.memory_space<hbm>>) target(%dma_start3A_99 : memref<128x128xf32, #tpu.memory_space<vmem>>) offsets(%dma_start3A_102 : memref<128xi32, #tpu.memory_space<vmem>>) semaphore(%dma_start3A_107 : memref<!tpu.dma_semaphore, #tpu.memory_space<semaphore_mem>>)
    %barrier3A = arith.constant 0 : index
    tpu.barrier barrier_id(%barrier3A)
    %scan3A = arith.constant 0 : i32
    %scan3A_108 = arith.constant 0 : i32
    %scan3A_109 = arith.constant 79 : i32
    %scan3A_110 = arith.addi %scan3A_108, %scan3A_109 : i32
    %scan3A_111 = arith.constant 1 : i32
    scf.for %scan3A_133 = %scan3A_108 to %scan3A_110 step %scan3A_111  : i32 {
      %rem3A_134 = arith.constant 2 : i32
      %rem3A_135 = arith.remsi %scan3A_133, %rem3A_134 : i32
      %dma_wait3A_136 = arith.constant 0 : i32
      %dma_wait3A_137 = arith.constant 0 : i32
      %dma_wait3A_138 = arith.constant 0 : i32
      %dma_wait3A_139 = tpu.memref_slice %arg9[%rem3A_135, %dma_wait3A_137, %dma_wait3A_138] : memref<2x128x128xf32, #tpu.memory_space<vmem>> -> memref<1x128x128xf32, #tpu.memory_space<vmem>>
      %dma_wait3A_140 = tpu.memref_squeeze %dma_wait3A_139 : memref<1x128x128xf32, #tpu.memory_space<vmem>> -> memref<128x128xf32, #tpu.memory_space<vmem>>
      %dma_wait3A_141 = arith.constant 0 : i32
      %dma_wait3A_142 = tpu.memref_slice %arg7[%rem3A_135, %dma_wait3A_136, %dma_wait3A_141] : memref<2x1x128xi32, #tpu.memory_space<vmem>> -> memref<1x1x128xi32, #tpu.memory_space<vmem>>
      %dma_wait3A_143 = tpu.memref_squeeze %dma_wait3A_142 : memref<1x1x128xi32, #tpu.memory_space<vmem>> -> memref<128xi32, #tpu.memory_space<vmem>>
      %dma_wait3A_144 = arith.constant 0 : i32
      %dma_wait3A_145 = arith.constant 0 : i32
      %dma_wait3A_146 = tpu.memref_slice %arg2[%dma_wait3A_144, %dma_wait3A_145] : memref<10000x128xf32, #tpu.memory_space<hbm>> -> memref<10000x128xf32, #tpu.memory_space<hbm>>
      %dma_wait3A_147 = tpu.memref_slice %arg13[%rem3A_135] : memref<2x!tpu.dma_semaphore, #tpu.memory_space<semaphore_mem>> -> memref<1x!tpu.dma_semaphore, #tpu.memory_space<semaphore_mem>>
      %dma_wait3A_148 = tpu.memref_squeeze %dma_wait3A_147 : memref<1x!tpu.dma_semaphore, #tpu.memory_space<semaphore_mem>> -> memref<!tpu.dma_semaphore, #tpu.memory_space<semaphore_mem>>
      tpu.wait_indirect_dma semaphore(%dma_wait3A_148 : memref<!tpu.dma_semaphore, #tpu.memory_space<semaphore_mem>>) src(%dma_wait3A_146 : memref<10000x128xf32, #tpu.memory_space<hbm>>) dst(%dma_wait3A_140 : memref<128x128xf32, #tpu.memory_space<vmem>>)
      %gt3A = arith.constant 0 : i32
      %gt3A_149 = arith.cmpi sgt, %scan3A_133, %gt3A : i32
      %convert_element_type3A = arith.extui %gt3A_149 : i1 to i32
      %cond3A = arith.constant 0 : i32
      %cond3A_150 = arith.cmpi ne, %convert_element_type3A, %cond3A : i32
      scf.if %cond3A_150 {
        %sub3A = arith.constant 1 : i32
        %sub3A_181 = arith.subi %scan3A_133, %sub3A : i32
        %rem3A_182 = arith.constant 2 : i32
        %rem3A_183 = arith.remsi %sub3A_181, %rem3A_182 : i32
        %rem3A_184 = arith.constant 4 : i32
        %rem3A_185 = arith.remsi %sub3A_181, %rem3A_184 : i32
        %dma_wait3A_186 = arith.constant 0 : i32
        %dma_wait3A_187 = arith.constant 0 : i32
        %dma_wait3A_188 = arith.constant 0 : i32
        %dma_wait3A_189 = tpu.memref_slice %arg9[%rem3A_183, %dma_wait3A_187, %dma_wait3A_188] : memref<2x128x128xf32, #tpu.memory_space<vmem>> -> memref<1x128x128xf32, #tpu.memory_space<vmem>>
        %dma_wait3A_190 = tpu.memref_squeeze %dma_wait3A_189 : memref<1x128x128xf32, #tpu.memory_space<vmem>> -> memref<128x128xf32, #tpu.memory_space<vmem>>
        %dma_wait3A_191 = arith.constant 0 : i32
        %dma_wait3A_192 = tpu.memref_slice %arg8[%rem3A_185, %dma_wait3A_186, %dma_wait3A_191] : memref<4x1x128xi32, #tpu.memory_space<vmem>> -> memref<1x1x128xi32, #tpu.memory_space<vmem>>
        %dma_wait3A_193 = tpu.memref_squeeze %dma_wait3A_192 : memref<1x1x128xi32, #tpu.memory_space<vmem>> -> memref<128xi32, #tpu.memory_space<vmem>>
        %dma_wait3A_194 = arith.constant 0 : i32
        %dma_wait3A_195 = arith.constant 0 : i32
        %dma_wait3A_196 = tpu.memref_slice %arg10[%dma_wait3A_194, %dma_wait3A_195] : memref<10240x128xf32, #tpu.memory_space<vmem_shared>> -> memref<10240x128xf32, #tpu.memory_space<vmem_shared>>
        %dma_wait3A_197 = tpu.memref_slice %arg14[%rem3A_183] : memref<2x!tpu.dma_semaphore, #tpu.memory_space<semaphore_mem>> -> memref<1x!tpu.dma_semaphore, #tpu.memory_space<semaphore_mem>>
        %dma_wait3A_198 = tpu.memref_squeeze %dma_wait3A_197 : memref<1x!tpu.dma_semaphore, #tpu.memory_space<semaphore_mem>> -> memref<!tpu.dma_semaphore, #tpu.memory_space<semaphore_mem>>
        tpu.wait_indirect_dma semaphore(%dma_wait3A_198 : memref<!tpu.dma_semaphore, #tpu.memory_space<semaphore_mem>>) src(%dma_wait3A_190 : memref<128x128xf32, #tpu.memory_space<vmem>>) dst(%dma_wait3A_196 : memref<10240x128xf32, #tpu.memory_space<vmem_shared>>)
      } else {
      }
      %add3A_151 = arith.constant 1 : i32
      %add3A_152 = arith.addi %scan3A_133, %add3A_151 : i32
      %lt3A = arith.constant 79 : i32
      %lt3A_153 = arith.cmpi slt, %add3A_152, %lt3A : i32
      %convert_element_type3A_154 = arith.extui %lt3A_153 : i1 to i32
      %cond3A_155 = arith.constant 0 : i32
      %cond3A_156 = arith.cmpi ne, %convert_element_type3A_154, %cond3A_155 : i32
      scf.if %cond3A_156 {
        %add3A_181 = arith.constant 1 : i32
        %add3A_182 = arith.addi %scan3A_133, %add3A_181 : i32
        %rem3A_183 = arith.constant 2 : i32
        %rem3A_184 = arith.remsi %add3A_182, %rem3A_183 : i32
        %rem3A_185 = arith.constant 4 : i32
        %rem3A_186 = arith.remsi %add3A_182, %rem3A_185 : i32
        %mul3A_187 = arith.constant 128 : i32
        %mul3A_188 = arith.muli %add3A_182, %mul3A_187 : i32
        %add3A_189 = arith.addi %mul3A_4, %mul3A_188 : i32
        %dma_wait3A_190 = arith.constant 0 : i32
        %dma_wait3A_191 = arith.constant 0 : i32
        %dma_wait3A_192 = tpu.memref_slice %arg7[%rem3A_184, %dma_wait3A_190, %dma_wait3A_191] : memref<2x1x128xi32, #tpu.memory_space<vmem>> -> memref<1x1x128xi32, #tpu.memory_space<vmem>>
        %dma_wait3A_193 = tpu.memref_squeeze %dma_wait3A_192 : memref<1x1x128xi32, #tpu.memory_space<vmem>> -> memref<128xi32, #tpu.memory_space<vmem>>
        %dma_wait3A_194 = tpu.memref_slice %arg3[%add3A_189] : memref<323584xi32, #tpu.memory_space<hbm>> -> memref<128xi32, #tpu.memory_space<hbm>>
        %dma_wait3A_195 = tpu.memref_slice %arg11[%rem3A_184] : memref<2x!tpu.dma_semaphore, #tpu.memory_space<semaphore_mem>> -> memref<1x!tpu.dma_semaphore, #tpu.memory_space<semaphore_mem>>
        %dma_wait3A_196 = tpu.memref_squeeze %dma_wait3A_195 : memref<1x!tpu.dma_semaphore, #tpu.memory_space<semaphore_mem>> -> memref<!tpu.dma_semaphore, #tpu.memory_space<semaphore_mem>>
        %dma_wait3A_197 = arith.constant 0 : i32
        %dma_wait3A_198 = tpu.memref_slice %arg7[%rem3A_184, %dma_wait3A_190, %dma_wait3A_197] : memref<2x1x128xi32, #tpu.memory_space<vmem>> -> memref<1x1x128xi32, #tpu.memory_space<vmem>>
        %dma_wait3A_199 = tpu.memref_squeeze %dma_wait3A_198 : memref<1x1x128xi32, #tpu.memory_space<vmem>> -> memref<128xi32, #tpu.memory_space<vmem>>
        %dma_wait3A_200 = tpu.memref_slice %arg3[%add3A_189] : memref<323584xi32, #tpu.memory_space<hbm>> -> memref<128xi32, #tpu.memory_space<hbm>>
        tpu.wait_dma2 semaphore(%dma_wait3A_196 : memref<!tpu.dma_semaphore, #tpu.memory_space<semaphore_mem>>) src(%dma_wait3A_200 : memref<128xi32, #tpu.memory_space<hbm>>) dst(%dma_wait3A_199 : memref<128xi32, #tpu.memory_space<vmem>>)
        %dma_wait3A_201 = arith.constant 0 : i32
        %dma_wait3A_202 = arith.constant 0 : i32
        %dma_wait3A_203 = tpu.memref_slice %arg8[%rem3A_186, %dma_wait3A_201, %dma_wait3A_202] : memref<4x1x128xi32, #tpu.memory_space<vmem>> -> memref<1x1x128xi32, #tpu.memory_space<vmem>>
        %dma_wait3A_204 = tpu.memref_squeeze %dma_wait3A_203 : memref<1x1x128xi32, #tpu.memory_space<vmem>> -> memref<128xi32, #tpu.memory_space<vmem>>
        %dma_wait3A_205 = tpu.memref_slice %arg4[%add3A_189] : memref<323584xi32, #tpu.memory_space<hbm>> -> memref<128xi32, #tpu.memory_space<hbm>>
        %dma_wait3A_206 = tpu.memref_slice %arg12[%rem3A_186] : memref<4x!tpu.dma_semaphore, #tpu.memory_space<semaphore_mem>> -> memref<1x!tpu.dma_semaphore, #tpu.memory_space<semaphore_mem>>
        %dma_wait3A_207 = tpu.memref_squeeze %dma_wait3A_206 : memref<1x!tpu.dma_semaphore, #tpu.memory_space<semaphore_mem>> -> memref<!tpu.dma_semaphore, #tpu.memory_space<semaphore_mem>>
        %dma_wait3A_208 = arith.constant 0 : i32
        %dma_wait3A_209 = tpu.memref_slice %arg8[%rem3A_186, %dma_wait3A_201, %dma_wait3A_208] : memref<4x1x128xi32, #tpu.memory_space<vmem>> -> memref<1x1x128xi32, #tpu.memory_space<vmem>>
        %dma_wait3A_210 = tpu.memref_squeeze %dma_wait3A_209 : memref<1x1x128xi32, #tpu.memory_space<vmem>> -> memref<128xi32, #tpu.memory_space<vmem>>
        %dma_wait3A_211 = tpu.memref_slice %arg4[%add3A_189] : memref<323584xi32, #tpu.memory_space<hbm>> -> memref<128xi32, #tpu.memory_space<hbm>>
        tpu.wait_dma2 semaphore(%dma_wait3A_207 : memref<!tpu.dma_semaphore, #tpu.memory_space<semaphore_mem>>) src(%dma_wait3A_211 : memref<128xi32, #tpu.memory_space<hbm>>) dst(%dma_wait3A_210 : memref<128xi32, #tpu.memory_space<vmem>>)
        %add3A_212 = arith.constant 1 : i32
        %add3A_213 = arith.addi %scan3A_133, %add3A_212 : i32
        %rem3A_214 = arith.constant 2 : i32
        %rem3A_215 = arith.remsi %add3A_213, %rem3A_214 : i32
        %dma_start3A_216 = arith.constant 0 : i32
        %dma_start3A_217 = arith.constant 0 : i32
        %dma_start3A_218 = arith.constant 0 : i32
        %dma_start3A_219 = tpu.memref_slice %arg9[%rem3A_215, %dma_start3A_217, %dma_start3A_218] : memref<2x128x128xf32, #tpu.memory_space<vmem>> -> memref<1x128x128xf32, #tpu.memory_space<vmem>>
        %dma_start3A_220 = tpu.memref_squeeze %dma_start3A_219 : memref<1x128x128xf32, #tpu.memory_space<vmem>> -> memref<128x128xf32, #tpu.memory_space<vmem>>
        %dma_start3A_221 = arith.constant 0 : i32
        %dma_start3A_222 = tpu.memref_slice %arg7[%rem3A_215, %dma_start3A_216, %dma_start3A_221] : memref<2x1x128xi32, #tpu.memory_space<vmem>> -> memref<1x1x128xi32, #tpu.memory_space<vmem>>
        %dma_start3A_223 = tpu.memref_squeeze %dma_start3A_222 : memref<1x1x128xi32, #tpu.memory_space<vmem>> -> memref<128xi32, #tpu.memory_space<vmem>>
        %dma_start3A_224 = arith.constant 0 : i32
        %dma_start3A_225 = arith.constant 0 : i32
        %dma_start3A_226 = tpu.memref_slice %arg2[%dma_start3A_224, %dma_start3A_225] : memref<10000x128xf32, #tpu.memory_space<hbm>> -> memref<10000x128xf32, #tpu.memory_space<hbm>>
        %dma_start3A_227 = tpu.memref_slice %arg13[%rem3A_215] : memref<2x!tpu.dma_semaphore, #tpu.memory_space<semaphore_mem>> -> memref<1x!tpu.dma_semaphore, #tpu.memory_space<semaphore_mem>>
        %dma_start3A_228 = tpu.memref_squeeze %dma_start3A_227 : memref<1x!tpu.dma_semaphore, #tpu.memory_space<semaphore_mem>> -> memref<!tpu.dma_semaphore, #tpu.memory_space<semaphore_mem>>
        tpu.enqueue_indirect_dma source(%dma_start3A_226 : memref<10000x128xf32, #tpu.memory_space<hbm>>) target(%dma_start3A_220 : memref<128x128xf32, #tpu.memory_space<vmem>>) offsets(%dma_start3A_223 : memref<128xi32, #tpu.memory_space<vmem>>) semaphore(%dma_start3A_228 : memref<!tpu.dma_semaphore, #tpu.memory_space<semaphore_mem>>)
      } else {
      }
      %rem3A_157 = arith.constant 2 : i32
      %rem3A_158 = arith.remsi %scan3A_133, %rem3A_157 : i32
      %rem3A_159 = arith.constant 4 : i32
      %rem3A_160 = arith.remsi %scan3A_133, %rem3A_159 : i32
      %dma_start3A_161 = arith.constant 0 : i32
      %dma_start3A_162 = arith.constant 0 : i32
      %dma_start3A_163 = arith.constant 0 : i32
      %dma_start3A_164 = tpu.memref_slice %arg9[%rem3A_158, %dma_start3A_162, %dma_start3A_163] : memref<2x128x128xf32, #tpu.memory_space<vmem>> -> memref<1x128x128xf32, #tpu.memory_space<vmem>>
      %dma_start3A_165 = tpu.memref_squeeze %dma_start3A_164 : memref<1x128x128xf32, #tpu.memory_space<vmem>> -> memref<128x128xf32, #tpu.memory_space<vmem>>
      %dma_start3A_166 = arith.constant 0 : i32
      %dma_start3A_167 = tpu.memref_slice %arg8[%rem3A_160, %dma_start3A_161, %dma_start3A_166] : memref<4x1x128xi32, #tpu.memory_space<vmem>> -> memref<1x1x128xi32, #tpu.memory_space<vmem>>
      %dma_start3A_168 = tpu.memref_squeeze %dma_start3A_167 : memref<1x1x128xi32, #tpu.memory_space<vmem>> -> memref<128xi32, #tpu.memory_space<vmem>>
      %dma_start3A_169 = arith.constant 0 : i32
      %dma_start3A_170 = arith.constant 0 : i32
      %dma_start3A_171 = tpu.memref_slice %arg10[%dma_start3A_169, %dma_start3A_170] : memref<10240x128xf32, #tpu.memory_space<vmem_shared>> -> memref<10240x128xf32, #tpu.memory_space<vmem_shared>>
      %dma_start3A_172 = tpu.memref_slice %arg14[%rem3A_158] : memref<2x!tpu.dma_semaphore, #tpu.memory_space<semaphore_mem>> -> memref<1x!tpu.dma_semaphore, #tpu.memory_space<semaphore_mem>>
      %dma_start3A_173 = tpu.memref_squeeze %dma_start3A_172 : memref<1x!tpu.dma_semaphore, #tpu.memory_space<semaphore_mem>> -> memref<!tpu.dma_semaphore, #tpu.memory_space<semaphore_mem>>
      tpu.enqueue_indirect_dma source(%dma_start3A_165 : memref<128x128xf32, #tpu.memory_space<vmem>>) target(%dma_start3A_171 : memref<10240x128xf32, #tpu.memory_space<vmem_shared>>) offsets(%dma_start3A_168 : memref<128xi32, #tpu.memory_space<vmem>>) semaphore(%dma_start3A_173 : memref<!tpu.dma_semaphore, #tpu.memory_space<semaphore_mem>>) {add = true}
      %add3A_174 = arith.constant 2 : i32
      %add3A_175 = arith.addi %scan3A_133, %add3A_174 : i32
      %lt3A_176 = arith.constant 79 : i32
      %lt3A_177 = arith.cmpi slt, %add3A_175, %lt3A_176 : i32
      %convert_element_type3A_178 = arith.extui %lt3A_177 : i1 to i32
      %cond3A_179 = arith.constant 0 : i32
      %cond3A_180 = arith.cmpi ne, %convert_element_type3A_178, %cond3A_179 : i32
      scf.if %cond3A_180 {
        %add3A_181 = arith.constant 2 : i32
        %add3A_182 = arith.addi %scan3A_133, %add3A_181 : i32
        %rem3A_183 = arith.constant 2 : i32
        %rem3A_184 = arith.remsi %add3A_182, %rem3A_183 : i32
        %rem3A_185 = arith.constant 4 : i32
        %rem3A_186 = arith.remsi %add3A_182, %rem3A_185 : i32
        %mul3A_187 = arith.constant 128 : i32
        %mul3A_188 = arith.muli %add3A_182, %mul3A_187 : i32
        %add3A_189 = arith.addi %mul3A_4, %mul3A_188 : i32
        %dma_start3A_190 = arith.constant 0 : i32
        %dma_start3A_191 = arith.constant 0 : i32
        %dma_start3A_192 = tpu.memref_slice %arg7[%rem3A_184, %dma_start3A_190, %dma_start3A_191] : memref<2x1x128xi32, #tpu.memory_space<vmem>> -> memref<1x1x128xi32, #tpu.memory_space<vmem>>
        %dma_start3A_193 = tpu.memref_squeeze %dma_start3A_192 : memref<1x1x128xi32, #tpu.memory_space<vmem>> -> memref<128xi32, #tpu.memory_space<vmem>>
        %dma_start3A_194 = tpu.memref_slice %arg3[%add3A_189] : memref<323584xi32, #tpu.memory_space<hbm>> -> memref<128xi32, #tpu.memory_space<hbm>>
        %dma_start3A_195 = tpu.memref_slice %arg11[%rem3A_184] : memref<2x!tpu.dma_semaphore, #tpu.memory_space<semaphore_mem>> -> memref<1x!tpu.dma_semaphore, #tpu.memory_space<semaphore_mem>>
        %dma_start3A_196 = tpu.memref_squeeze %dma_start3A_195 : memref<1x!tpu.dma_semaphore, #tpu.memory_space<semaphore_mem>> -> memref<!tpu.dma_semaphore, #tpu.memory_space<semaphore_mem>>
        %dma_start3A_197 = arith.constant 0 : i32
        %dma_start3A_198 = tpu.memref_slice %arg7[%rem3A_184, %dma_start3A_190, %dma_start3A_197] : memref<2x1x128xi32, #tpu.memory_space<vmem>> -> memref<1x1x128xi32, #tpu.memory_space<vmem>>
        %dma_start3A_199 = tpu.memref_squeeze %dma_start3A_198 : memref<1x1x128xi32, #tpu.memory_space<vmem>> -> memref<128xi32, #tpu.memory_space<vmem>>
        %dma_start3A_200 = tpu.memref_slice %arg3[%add3A_189] : memref<323584xi32, #tpu.memory_space<hbm>> -> memref<128xi32, #tpu.memory_space<hbm>>
        tpu.enqueue_dma source(%dma_start3A_200 : memref<128xi32, #tpu.memory_space<hbm>>) target(%dma_start3A_199 : memref<128xi32, #tpu.memory_space<vmem>>) target_semaphore(%dma_start3A_196 : memref<!tpu.dma_semaphore, #tpu.memory_space<semaphore_mem>>)
        %dma_start3A_201 = arith.constant 0 : i32
        %dma_start3A_202 = arith.constant 0 : i32
        %dma_start3A_203 = tpu.memref_slice %arg8[%rem3A_186, %dma_start3A_201, %dma_start3A_202] : memref<4x1x128xi32, #tpu.memory_space<vmem>> -> memref<1x1x128xi32, #tpu.memory_space<vmem>>
        %dma_start3A_204 = tpu.memref_squeeze %dma_start3A_203 : memref<1x1x128xi32, #tpu.memory_space<vmem>> -> memref<128xi32, #tpu.memory_space<vmem>>
        %dma_start3A_205 = tpu.memref_slice %arg4[%add3A_189] : memref<323584xi32, #tpu.memory_space<hbm>> -> memref<128xi32, #tpu.memory_space<hbm>>
        %dma_start3A_206 = tpu.memref_slice %arg12[%rem3A_186] : memref<4x!tpu.dma_semaphore, #tpu.memory_space<semaphore_mem>> -> memref<1x!tpu.dma_semaphore, #tpu.memory_space<semaphore_mem>>
        %dma_start3A_207 = tpu.memref_squeeze %dma_start3A_206 : memref<1x!tpu.dma_semaphore, #tpu.memory_space<semaphore_mem>> -> memref<!tpu.dma_semaphore, #tpu.memory_space<semaphore_mem>>
        %dma_start3A_208 = arith.constant 0 : i32
        %dma_start3A_209 = tpu.memref_slice %arg8[%rem3A_186, %dma_start3A_201, %dma_start3A_208] : memref<4x1x128xi32, #tpu.memory_space<vmem>> -> memref<1x1x128xi32, #tpu.memory_space<vmem>>
        %dma_start3A_210 = tpu.memref_squeeze %dma_start3A_209 : memref<1x1x128xi32, #tpu.memory_space<vmem>> -> memref<128xi32, #tpu.memory_space<vmem>>
        %dma_start3A_211 = tpu.memref_slice %arg4[%add3A_189] : memref<323584xi32, #tpu.memory_space<hbm>> -> memref<128xi32, #tpu.memory_space<hbm>>
        tpu.enqueue_dma source(%dma_start3A_211 : memref<128xi32, #tpu.memory_space<hbm>>) target(%dma_start3A_210 : memref<128xi32, #tpu.memory_space<vmem>>) target_semaphore(%dma_start3A_207 : memref<!tpu.dma_semaphore, #tpu.memory_space<semaphore_mem>>)
      } else {
      }
    }
    %scan3A_112 = arith.constant 79 : i32
    %rem3A_113 = arith.constant 78 : i32
    %rem3A_114 = arith.constant 2 : i32
    %rem3A_115 = arith.remsi %rem3A_113, %rem3A_114 : i32
    %rem3A_116 = arith.constant 78 : i32
    %rem3A_117 = arith.constant 4 : i32
    %rem3A_118 = arith.remsi %rem3A_116, %rem3A_117 : i32
    %dma_wait3A_119 = arith.constant 0 : i32
    %dma_wait3A_120 = arith.constant 0 : i32
    %dma_wait3A_121 = arith.constant 0 : i32
    %dma_wait3A_122 = tpu.memref_slice %arg9[%rem3A_115, %dma_wait3A_120, %dma_wait3A_121] : memref<2x128x128xf32, #tpu.memory_space<vmem>> -> memref<1x128x128xf32, #tpu.memory_space<vmem>>
    %dma_wait3A_123 = tpu.memref_squeeze %dma_wait3A_122 : memref<1x128x128xf32, #tpu.memory_space<vmem>> -> memref<128x128xf32, #tpu.memory_space<vmem>>
    %dma_wait3A_124 = arith.constant 0 : i32
    %dma_wait3A_125 = tpu.memref_slice %arg8[%rem3A_118, %dma_wait3A_119, %dma_wait3A_124] : memref<4x1x128xi32, #tpu.memory_space<vmem>> -> memref<1x1x128xi32, #tpu.memory_space<vmem>>
    %dma_wait3A_126 = tpu.memref_squeeze %dma_wait3A_125 : memref<1x1x128xi32, #tpu.memory_space<vmem>> -> memref<128xi32, #tpu.memory_space<vmem>>
    %dma_wait3A_127 = arith.constant 0 : i32
    %dma_wait3A_128 = arith.constant 0 : i32
    %dma_wait3A_129 = tpu.memref_slice %arg10[%dma_wait3A_127, %dma_wait3A_128] : memref<10240x128xf32, #tpu.memory_space<vmem_shared>> -> memref<10240x128xf32, #tpu.memory_space<vmem_shared>>
    %dma_wait3A_130 = tpu.memref_slice %arg14[%rem3A_115] : memref<2x!tpu.dma_semaphore, #tpu.memory_space<semaphore_mem>> -> memref<1x!tpu.dma_semaphore, #tpu.memory_space<semaphore_mem>>
    %dma_wait3A_131 = tpu.memref_squeeze %dma_wait3A_130 : memref<1x!tpu.dma_semaphore, #tpu.memory_space<semaphore_mem>> -> memref<!tpu.dma_semaphore, #tpu.memory_space<semaphore_mem>>
    tpu.wait_indirect_dma semaphore(%dma_wait3A_131 : memref<!tpu.dma_semaphore, #tpu.memory_space<semaphore_mem>>) src(%dma_wait3A_123 : memref<128x128xf32, #tpu.memory_space<vmem>>) dst(%dma_wait3A_129 : memref<10240x128xf32, #tpu.memory_space<vmem_shared>>)
    %barrier3A_132 = arith.constant 0 : index
    tpu.barrier barrier_id(%barrier3A_132)
    "tpu.region"() ({
      %run_scoped3A = tpu.sem_alloc : memref<!tpu.dma_semaphore, #tpu.memory_space<semaphore_mem>>
      %dma_start3A_133 = arith.constant 0 : i32
      %dma_start3A_134 = tpu.memref_slice %arg6[%arg0, %mul3A_2, %dma_start3A_133] : memref<2x10240x128xf32, #tpu.memory_space<hbm>> -> memref<1x640x128xf32, #tpu.memory_space<hbm>>
      %dma_start3A_135 = tpu.memref_squeeze %dma_start3A_134 : memref<1x640x128xf32, #tpu.memory_space<hbm>> -> memref<640x128xf32, #tpu.memory_space<hbm>>
      %dma_start3A_136 = arith.constant 0 : i32
      %dma_start3A_137 = tpu.memref_slice %arg10[%mul3A_2, %dma_start3A_136] : memref<10240x128xf32, #tpu.memory_space<vmem_shared>> -> memref<640x128xf32, #tpu.memory_space<vmem_shared>>
      tpu.enqueue_dma source(%dma_start3A_137 : memref<640x128xf32, #tpu.memory_space<vmem_shared>>) target(%dma_start3A_135 : memref<640x128xf32, #tpu.memory_space<hbm>>) target_semaphore(%run_scoped3A : memref<!tpu.dma_semaphore, #tpu.memory_space<semaphore_mem>>)
      %dma_wait3A_138 = arith.constant 0 : i32
      %dma_wait3A_139 = tpu.memref_slice %arg6[%arg0, %mul3A_2, %dma_wait3A_138] : memref<2x10240x128xf32, #tpu.memory_space<hbm>> -> memref<1x640x128xf32, #tpu.memory_space<hbm>>
      %dma_wait3A_140 = tpu.memref_squeeze %dma_wait3A_139 : memref<1x640x128xf32, #tpu.memory_space<hbm>> -> memref<640x128xf32, #tpu.memory_space<hbm>>
      %dma_wait3A_141 = arith.constant 0 : i32
      %dma_wait3A_142 = tpu.memref_slice %arg10[%mul3A_2, %dma_wait3A_141] : memref<10240x128xf32, #tpu.memory_space<vmem_shared>> -> memref<640x128xf32, #tpu.memory_space<vmem_shared>>
      tpu.wait_dma2 semaphore(%run_scoped3A : memref<!tpu.dma_semaphore, #tpu.memory_space<semaphore_mem>>) src(%dma_wait3A_142 : memref<640x128xf32, #tpu.memory_space<vmem_shared>>) dst(%dma_wait3A_140 : memref<640x128xf32, #tpu.memory_space<hbm>>)
      tpu.yield
    }) : () -> ()
    return
  }
}

#map = affine_map<(d0, d1) -> (0, 0)>
#map1 = affine_map<(d0, d1) -> (0)>
#map2 = affine_map<(d0, d1) -> (0, 0, 0)>
module attributes {stable_mosaic.version = 14 : i64} {
  func.func @k(%arg0: i32, %arg1: i32, %arg2: memref<10000x128xf32, #tpu.memory_space<hbm>>, %arg3: memref<323584xi32, #tpu.memory_space<hbm>>, %arg4: memref<323584xi32, #tpu.memory_space<hbm>>, %arg5: memref<10240x128xf32, #tpu.memory_space<hbm>>, %arg6: memref<2x10240x128xf32, #tpu.memory_space<hbm>>, %arg7: memref<2x1x128xi32, #tpu.memory_space<vmem>>, %arg8: memref<4x1x128xi32, #tpu.memory_space<vmem>>, %arg9: memref<2x128x128xf32, #tpu.memory_space<vmem>>, %arg10: memref<10240x128xf32, #tpu.memory_space<vmem_shared>>, %arg11: memref<2x!tpu.dma_semaphore, #tpu.memory_space<semaphore_mem>>, %arg12: memref<4x!tpu.dma_semaphore, #tpu.memory_space<semaphore_mem>>, %arg13: memref<2x!tpu.dma_semaphore, #tpu.memory_space<semaphore_mem>>, %arg14: memref<2x!tpu.dma_semaphore, #tpu.memory_space<semaphore_mem>>) attributes {dimension_semantics = [#tpu.dimension_semantics<core_parallel>, #tpu.dimension_semantics<subcore_parallel>], iteration_bounds = array<i64: 2, 16>, scalar_prefetch = 0 : i64, scratch_operands = 8 : i64, tpu.core_type = #tpu.core_type<sc_vector_subcore>, window_params = [{transform_indices = #map}, {transform_indices = #map1}, {transform_indices = #map1}, {transform_indices = #map}, {transform_indices = #map2}]} {
    %mul3A = arith.constant 16 : i32
    %mul3A_0 = arith.muli %arg0, %mul3A : i32
    %add3A = arith.addi %mul3A_0, %arg1 : i32
    %mul3A_1 = arith.constant 640 : i32
    %mul3A_2 = arith.muli %arg1, %mul3A_1 : i32
    %mul3A_3 = arith.constant 10112 : i32
    %mul3A_4 = arith.muli %add3A, %mul3A_3 : i32
    "tpu.region"() ({
      %run_scoped3A = tpu.sem_alloc : memref<!tpu.dma_semaphore, #tpu.memory_space<semaphore_mem>>
      %dma_start3A_133 = arith.constant 0 : i32
      %dma_start3A_134 = tpu.memref_slice %arg10[%mul3A_2, %dma_start3A_133] : memref<10240x128xf32, #tpu.memory_space<vmem_shared>> -> memref<640x128xf32, #tpu.memory_space<vmem_shared>>
      %dma_start3A_135 = arith.constant 0 : i32
      %dma_start3A_136 = tpu.memref_slice %arg5[%mul3A_2, %dma_start3A_135] : memref<10240x128xf32, #tpu.memory_space<hbm>> -> memref<640x128xf32, #tpu.memory_space<hbm>>
      tpu.enqueue_dma source(%dma_start3A_136 : memref<640x128xf32, #tpu.memory_space<hbm>>) target(%dma_start3A_134 : memref<640x128xf32, #tpu.memory_space<vmem_shared>>) target_semaphore(%run_scoped3A : memref<!tpu.dma_semaphore, #tpu.memory_space<semaphore_mem>>)
      %dma_wait3A_137 = arith.constant 0 : i32
      %dma_wait3A_138 = tpu.memref_slice %arg10[%mul3A_2, %dma_wait3A_137] : memref<10240x128xf32, #tpu.memory_space<vmem_shared>> -> memref<640x128xf32, #tpu.memory_space<vmem_shared>>
      %dma_wait3A_139 = arith.constant 0 : i32
      %dma_wait3A_140 = tpu.memref_slice %arg5[%mul3A_2, %dma_wait3A_139] : memref<10240x128xf32, #tpu.memory_space<hbm>> -> memref<640x128xf32, #tpu.memory_space<hbm>>
      tpu.wait_dma2 semaphore(%run_scoped3A : memref<!tpu.dma_semaphore, #tpu.memory_space<semaphore_mem>>) src(%dma_wait3A_140 : memref<640x128xf32, #tpu.memory_space<hbm>>) dst(%dma_wait3A_138 : memref<640x128xf32, #tpu.memory_space<vmem_shared>>)
      tpu.yield
    }) : () -> ()
    %rem3A = arith.constant 0 : i32
    %rem3A_5 = arith.constant 2 : i32
    %rem3A_6 = arith.remsi %rem3A, %rem3A_5 : i32
    %rem3A_7 = arith.constant 0 : i32
    %rem3A_8 = arith.constant 4 : i32
    %rem3A_9 = arith.remsi %rem3A_7, %rem3A_8 : i32
    %add3A_10 = arith.constant 0 : i32
    %add3A_11 = arith.addi %mul3A_4, %add3A_10 : i32
    %dma_start3A = arith.constant 0 : i32
    %dma_start3A_12 = arith.constant 0 : i32
    %dma_start3A_13 = tpu.memref_slice %arg7[%rem3A_6, %dma_start3A, %dma_start3A_12] : memref<2x1x128xi32, #tpu.memory_space<vmem>> -> memref<1x1x128xi32, #tpu.memory_space<vmem>>
    %dma_start3A_14 = tpu.memref_squeeze %dma_start3A_13 : memref<1x1x128xi32, #tpu.memory_space<vmem>> -> memref<128xi32, #tpu.memory_space<vmem>>
    %dma_start3A_15 = tpu.memref_slice %arg3[%add3A_11] : memref<323584xi32, #tpu.memory_space<hbm>> -> memref<128xi32, #tpu.memory_space<hbm>>
    %dma_start3A_16 = tpu.memref_slice %arg11[%rem3A_6] : memref<2x!tpu.dma_semaphore, #tpu.memory_space<semaphore_mem>> -> memref<1x!tpu.dma_semaphore, #tpu.memory_space<semaphore_mem>>
    %dma_start3A_17 = tpu.memref_squeeze %dma_start3A_16 : memref<1x!tpu.dma_semaphore, #tpu.memory_space<semaphore_mem>> -> memref<!tpu.dma_semaphore, #tpu.memory_space<semaphore_mem>>
    %dma_start3A_18 = arith.constant 0 : i32
    %dma_start3A_19 = tpu.memref_slice %arg7[%rem3A_6, %dma_start3A, %dma_start3A_18] : memref<2x1x128xi32, #tpu.memory_space<vmem>> -> memref<1x1x128xi32, #tpu.memory_space<vmem>>
    %dma_start3A_20 = tpu.memref_squeeze %dma_start3A_19 : memref<1x1x128xi32, #tpu.memory_space<vmem>> -> memref<128xi32, #tpu.memory_space<vmem>>
    %dma_start3A_21 = tpu.memref_slice %arg3[%add3A_11] : memref<323584xi32, #tpu.memory_space<hbm>> -> memref<128xi32, #tpu.memory_space<hbm>>
    tpu.enqueue_dma source(%dma_start3A_21 : memref<128xi32, #tpu.memory_space<hbm>>) target(%dma_start3A_20 : memref<128xi32, #tpu.memory_space<vmem>>) target_semaphore(%dma_start3A_17 : memref<!tpu.dma_semaphore, #tpu.memory_space<semaphore_mem>>)
    %dma_start3A_22 = arith.constant 0 : i32
    %dma_start3A_23 = arith.constant 0 : i32
    %dma_start3A_24 = tpu.memref_slice %arg8[%rem3A_9, %dma_start3A_22, %dma_start3A_23] : memref<4x1x128xi32, #tpu.memory_space<vmem>> -> memref<1x1x128xi32, #tpu.memory_space<vmem>>
    %dma_start3A_25 = tpu.memref_squeeze %dma_start3A_24 : memref<1x1x128xi32, #tpu.memory_space<vmem>> -> memref<128xi32, #tpu.memory_space<vmem>>
    %dma_start3A_26 = tpu.memref_slice %arg4[%add3A_11] : memref<323584xi32, #tpu.memory_space<hbm>> -> memref<128xi32, #tpu.memory_space<hbm>>
    %dma_start3A_27 = tpu.memref_slice %arg12[%rem3A_9] : memref<4x!tpu.dma_semaphore, #tpu.memory_space<semaphore_mem>> -> memref<1x!tpu.dma_semaphore, #tpu.memory_space<semaphore_mem>>
    %dma_start3A_28 = tpu.memref_squeeze %dma_start3A_27 : memref<1x!tpu.dma_semaphore, #tpu.memory_space<semaphore_mem>> -> memref<!tpu.dma_semaphore, #tpu.memory_space<semaphore_mem>>
    %dma_start3A_29 = arith.constant 0 : i32
    %dma_start3A_30 = tpu.memref_slice %arg8[%rem3A_9, %dma_start3A_22, %dma_start3A_29] : memref<4x1x128xi32, #tpu.memory_space<vmem>> -> memref<1x1x128xi32, #tpu.memory_space<vmem>>
    %dma_start3A_31 = tpu.memref_squeeze %dma_start3A_30 : memref<1x1x128xi32, #tpu.memory_space<vmem>> -> memref<128xi32, #tpu.memory_space<vmem>>
    %dma_start3A_32 = tpu.memref_slice %arg4[%add3A_11] : memref<323584xi32, #tpu.memory_space<hbm>> -> memref<128xi32, #tpu.memory_space<hbm>>
    tpu.enqueue_dma source(%dma_start3A_32 : memref<128xi32, #tpu.memory_space<hbm>>) target(%dma_start3A_31 : memref<128xi32, #tpu.memory_space<vmem>>) target_semaphore(%dma_start3A_28 : memref<!tpu.dma_semaphore, #tpu.memory_space<semaphore_mem>>)
    %rem3A_33 = arith.constant 1 : i32
    %rem3A_34 = arith.constant 2 : i32
    %rem3A_35 = arith.remsi %rem3A_33, %rem3A_34 : i32
    %rem3A_36 = arith.constant 1 : i32
    %rem3A_37 = arith.constant 4 : i32
    %rem3A_38 = arith.remsi %rem3A_36, %rem3A_37 : i32
    %add3A_39 = arith.constant 128 : i32
    %add3A_40 = arith.addi %mul3A_4, %add3A_39 : i32
    %dma_start3A_41 = arith.constant 0 : i32
    %dma_start3A_42 = arith.constant 0 : i32
    %dma_start3A_43 = tpu.memref_slice %arg7[%rem3A_35, %dma_start3A_41, %dma_start3A_42] : memref<2x1x128xi32, #tpu.memory_space<vmem>> -> memref<1x1x128xi32, #tpu.memory_space<vmem>>
    %dma_start3A_44 = tpu.memref_squeeze %dma_start3A_43 : memref<1x1x128xi32, #tpu.memory_space<vmem>> -> memref<128xi32, #tpu.memory_space<vmem>>
    %dma_start3A_45 = tpu.memref_slice %arg3[%add3A_40] : memref<323584xi32, #tpu.memory_space<hbm>> -> memref<128xi32, #tpu.memory_space<hbm>>
    %dma_start3A_46 = tpu.memref_slice %arg11[%rem3A_35] : memref<2x!tpu.dma_semaphore, #tpu.memory_space<semaphore_mem>> -> memref<1x!tpu.dma_semaphore, #tpu.memory_space<semaphore_mem>>
    %dma_start3A_47 = tpu.memref_squeeze %dma_start3A_46 : memref<1x!tpu.dma_semaphore, #tpu.memory_space<semaphore_mem>> -> memref<!tpu.dma_semaphore, #tpu.memory_space<semaphore_mem>>
    %dma_start3A_48 = arith.constant 0 : i32
    %dma_start3A_49 = tpu.memref_slice %arg7[%rem3A_35, %dma_start3A_41, %dma_start3A_48] : memref<2x1x128xi32, #tpu.memory_space<vmem>> -> memref<1x1x128xi32, #tpu.memory_space<vmem>>
    %dma_start3A_50 = tpu.memref_squeeze %dma_start3A_49 : memref<1x1x128xi32, #tpu.memory_space<vmem>> -> memref<128xi32, #tpu.memory_space<vmem>>
    %dma_start3A_51 = tpu.memref_slice %arg3[%add3A_40] : memref<323584xi32, #tpu.memory_space<hbm>> -> memref<128xi32, #tpu.memory_space<hbm>>
    tpu.enqueue_dma source(%dma_start3A_51 : memref<128xi32, #tpu.memory_space<hbm>>) target(%dma_start3A_50 : memref<128xi32, #tpu.memory_space<vmem>>) target_semaphore(%dma_start3A_47 : memref<!tpu.dma_semaphore, #tpu.memory_space<semaphore_mem>>)
    %dma_start3A_52 = arith.constant 0 : i32
    %dma_start3A_53 = arith.constant 0 : i32
    %dma_start3A_54 = tpu.memref_slice %arg8[%rem3A_38, %dma_start3A_52, %dma_start3A_53] : memref<4x1x128xi32, #tpu.memory_space<vmem>> -> memref<1x1x128xi32, #tpu.memory_space<vmem>>
    %dma_start3A_55 = tpu.memref_squeeze %dma_start3A_54 : memref<1x1x128xi32, #tpu.memory_space<vmem>> -> memref<128xi32, #tpu.memory_space<vmem>>
    %dma_start3A_56 = tpu.memref_slice %arg4[%add3A_40] : memref<323584xi32, #tpu.memory_space<hbm>> -> memref<128xi32, #tpu.memory_space<hbm>>
    %dma_start3A_57 = tpu.memref_slice %arg12[%rem3A_38] : memref<4x!tpu.dma_semaphore, #tpu.memory_space<semaphore_mem>> -> memref<1x!tpu.dma_semaphore, #tpu.memory_space<semaphore_mem>>
    %dma_start3A_58 = tpu.memref_squeeze %dma_start3A_57 : memref<1x!tpu.dma_semaphore, #tpu.memory_space<semaphore_mem>> -> memref<!tpu.dma_semaphore, #tpu.memory_space<semaphore_mem>>
    %dma_start3A_59 = arith.constant 0 : i32
    %dma_start3A_60 = tpu.memref_slice %arg8[%rem3A_38, %dma_start3A_52, %dma_start3A_59] : memref<4x1x128xi32, #tpu.memory_space<vmem>> -> memref<1x1x128xi32, #tpu.memory_space<vmem>>
    %dma_start3A_61 = tpu.memref_squeeze %dma_start3A_60 : memref<1x1x128xi32, #tpu.memory_space<vmem>> -> memref<128xi32, #tpu.memory_space<vmem>>
    %dma_start3A_62 = tpu.memref_slice %arg4[%add3A_40] : memref<323584xi32, #tpu.memory_space<hbm>> -> memref<128xi32, #tpu.memory_space<hbm>>
    tpu.enqueue_dma source(%dma_start3A_62 : memref<128xi32, #tpu.memory_space<hbm>>) target(%dma_start3A_61 : memref<128xi32, #tpu.memory_space<vmem>>) target_semaphore(%dma_start3A_58 : memref<!tpu.dma_semaphore, #tpu.memory_space<semaphore_mem>>)
    %rem3A_63 = arith.constant 0 : i32
    %rem3A_64 = arith.constant 2 : i32
    %rem3A_65 = arith.remsi %rem3A_63, %rem3A_64 : i32
    %rem3A_66 = arith.constant 0 : i32
    %rem3A_67 = arith.constant 4 : i32
    %rem3A_68 = arith.remsi %rem3A_66, %rem3A_67 : i32
    %add3A_69 = arith.constant 0 : i32
    %add3A_70 = arith.addi %mul3A_4, %add3A_69 : i32
    %dma_wait3A = arith.constant 0 : i32
    %dma_wait3A_71 = arith.constant 0 : i32
    %dma_wait3A_72 = tpu.memref_slice %arg7[%rem3A_65, %dma_wait3A, %dma_wait3A_71] : memref<2x1x128xi32, #tpu.memory_space<vmem>> -> memref<1x1x128xi32, #tpu.memory_space<vmem>>
    %dma_wait3A_73 = tpu.memref_squeeze %dma_wait3A_72 : memref<1x1x128xi32, #tpu.memory_space<vmem>> -> memref<128xi32, #tpu.memory_space<vmem>>
    %dma_wait3A_74 = tpu.memref_slice %arg3[%add3A_70] : memref<323584xi32, #tpu.memory_space<hbm>> -> memref<128xi32, #tpu.memory_space<hbm>>
    %dma_wait3A_75 = tpu.memref_slice %arg11[%rem3A_65] : memref<2x!tpu.dma_semaphore, #tpu.memory_space<semaphore_mem>> -> memref<1x!tpu.dma_semaphore, #tpu.memory_space<semaphore_mem>>
    %dma_wait3A_76 = tpu.memref_squeeze %dma_wait3A_75 : memref<1x!tpu.dma_semaphore, #tpu.memory_space<semaphore_mem>> -> memref<!tpu.dma_semaphore, #tpu.memory_space<semaphore_mem>>
    %dma_wait3A_77 = arith.constant 0 : i32
    %dma_wait3A_78 = tpu.memref_slice %arg7[%rem3A_65, %dma_wait3A, %dma_wait3A_77] : memref<2x1x128xi32, #tpu.memory_space<vmem>> -> memref<1x1x128xi32, #tpu.memory_space<vmem>>
    %dma_wait3A_79 = tpu.memref_squeeze %dma_wait3A_78 : memref<1x1x128xi32, #tpu.memory_space<vmem>> -> memref<128xi32, #tpu.memory_space<vmem>>
    %dma_wait3A_80 = tpu.memref_slice %arg3[%add3A_70] : memref<323584xi32, #tpu.memory_space<hbm>> -> memref<128xi32, #tpu.memory_space<hbm>>
    tpu.wait_dma2 semaphore(%dma_wait3A_76 : memref<!tpu.dma_semaphore, #tpu.memory_space<semaphore_mem>>) src(%dma_wait3A_80 : memref<128xi32, #tpu.memory_space<hbm>>) dst(%dma_wait3A_79 : memref<128xi32, #tpu.memory_space<vmem>>)
    %dma_wait3A_81 = arith.constant 0 : i32
    %dma_wait3A_82 = arith.constant 0 : i32
    %dma_wait3A_83 = tpu.memref_slice %arg8[%rem3A_68, %dma_wait3A_81, %dma_wait3A_82] : memref<4x1x128xi32, #tpu.memory_space<vmem>> -> memref<1x1x128xi32, #tpu.memory_space<vmem>>
    %dma_wait3A_84 = tpu.memref_squeeze %dma_wait3A_83 : memref<1x1x128xi32, #tpu.memory_space<vmem>> -> memref<128xi32, #tpu.memory_space<vmem>>
    %dma_wait3A_85 = tpu.memref_slice %arg4[%add3A_70] : memref<323584xi32, #tpu.memory_space<hbm>> -> memref<128xi32, #tpu.memory_space<hbm>>
    %dma_wait3A_86 = tpu.memref_slice %arg12[%rem3A_68] : memref<4x!tpu.dma_semaphore, #tpu.memory_space<semaphore_mem>> -> memref<1x!tpu.dma_semaphore, #tpu.memory_space<semaphore_mem>>
    %dma_wait3A_87 = tpu.memref_squeeze %dma_wait3A_86 : memref<1x!tpu.dma_semaphore, #tpu.memory_space<semaphore_mem>> -> memref<!tpu.dma_semaphore, #tpu.memory_space<semaphore_mem>>
    %dma_wait3A_88 = arith.constant 0 : i32
    %dma_wait3A_89 = tpu.memref_slice %arg8[%rem3A_68, %dma_wait3A_81, %dma_wait3A_88] : memref<4x1x128xi32, #tpu.memory_space<vmem>> -> memref<1x1x128xi32, #tpu.memory_space<vmem>>
    %dma_wait3A_90 = tpu.memref_squeeze %dma_wait3A_89 : memref<1x1x128xi32, #tpu.memory_space<vmem>> -> memref<128xi32, #tpu.memory_space<vmem>>
    %dma_wait3A_91 = tpu.memref_slice %arg4[%add3A_70] : memref<323584xi32, #tpu.memory_space<hbm>> -> memref<128xi32, #tpu.memory_space<hbm>>
    tpu.wait_dma2 semaphore(%dma_wait3A_87 : memref<!tpu.dma_semaphore, #tpu.memory_space<semaphore_mem>>) src(%dma_wait3A_91 : memref<128xi32, #tpu.memory_space<hbm>>) dst(%dma_wait3A_90 : memref<128xi32, #tpu.memory_space<vmem>>)
    %rem3A_92 = arith.constant 0 : i32
    %rem3A_93 = arith.constant 2 : i32
    %rem3A_94 = arith.remsi %rem3A_92, %rem3A_93 : i32
    %dma_start3A_95 = arith.constant 0 : i32
    %dma_start3A_96 = arith.constant 0 : i32
    %dma_start3A_97 = arith.constant 0 : i32
    %dma_start3A_98 = tpu.memref_slice %arg9[%rem3A_94, %dma_start3A_96, %dma_start3A_97] : memref<2x128x128xf32, #tpu.memory_space<vmem>> -> memref<1x128x128xf32, #tpu.memory_space<vmem>>
    %dma_start3A_99 = tpu.memref_squeeze %dma_start3A_98 : memref<1x128x128xf32, #tpu.memory_space<vmem>> -> memref<128x128xf32, #tpu.memory_space<vmem>>
    %dma_start3A_100 = arith.constant 0 : i32
    %dma_start3A_101 = tpu.memref_slice %arg7[%rem3A_94, %dma_start3A_95, %dma_start3A_100] : memref<2x1x128xi32, #tpu.memory_space<vmem>> -> memref<1x1x128xi32, #tpu.memory_space<vmem>>
    %dma_start3A_102 = tpu.memref_squeeze %dma_start3A_101 : memref<1x1x128xi32, #tpu.memory_space<vmem>> -> memref<128xi32, #tpu.memory_space<vmem>>
    %dma_start3A_103 = arith.constant 0 : i32
    %dma_start3A_104 = arith.constant 0 : i32
    %dma_start3A_105 = tpu.memref_slice %arg2[%dma_start3A_103, %dma_start3A_104] : memref<10000x128xf32, #tpu.memory_space<hbm>> -> memref<10000x128xf32, #tpu.memory_space<hbm>>
    %dma_start3A_106 = tpu.memref_slice %arg13[%rem3A_94] : memref<2x!tpu.dma_semaphore, #tpu.memory_space<semaphore_mem>> -> memref<1x!tpu.dma_semaphore, #tpu.memory_space<semaphore_mem>>
    %dma_start3A_107 = tpu.memref_squeeze %dma_start3A_106 : memref<1x!tpu.dma_semaphore, #tpu.memory_space<semaphore_mem>> -> memref<!tpu.dma_semaphore, #tpu.memory_space<semaphore_mem>>
    tpu.enqueue_indirect_dma source(%dma_start3A_105 : memref<10000x128xf32, #tpu.memory_space<hbm>>) target(%dma_start3A_99 : memref<128x128xf32, #tpu.memory_space<vmem>>) offsets(%dma_start3A_102 : memref<128xi32, #tpu.memory_space<vmem>>) semaphore(%dma_start3A_107 : memref<!tpu.dma_semaphore, #tpu.memory_space<semaphore_mem>>)
    %barrier3A = arith.constant 0 : index
    tpu.barrier barrier_id(%barrier3A)
    %scan3A = arith.constant 0 : i32
    %scan3A_108 = arith.constant 0 : i32
    %scan3A_109 = arith.constant 79 : i32
    %scan3A_110 = arith.addi %scan3A_108, %scan3A_109 : i32
    %scan3A_111 = arith.constant 1 : i32
    scf.for %scan3A_133 = %scan3A_108 to %scan3A_110 step %scan3A_111  : i32 {
      %rem3A_134 = arith.constant 2 : i32
      %rem3A_135 = arith.remsi %scan3A_133, %rem3A_134 : i32
      %dma_wait3A_136 = arith.constant 0 : i32
      %dma_wait3A_137 = arith.constant 0 : i32
      %dma_wait3A_138 = arith.constant 0 : i32
      %dma_wait3A_139 = tpu.memref_slice %arg9[%rem3A_135, %dma_wait3A_137, %dma_wait3A_138] : memref<2x128x128xf32, #tpu.memory_space<vmem>> -> memref<1x128x128xf32, #tpu.memory_space<vmem>>
      %dma_wait3A_140 = tpu.memref_squeeze %dma_wait3A_139 : memref<1x128x128xf32, #tpu.memory_space<vmem>> -> memref<128x128xf32, #tpu.memory_space<vmem>>
      %dma_wait3A_141 = arith.constant 0 : i32
      %dma_wait3A_142 = tpu.memref_slice %arg7[%rem3A_135, %dma_wait3A_136, %dma_wait3A_141] : memref<2x1x128xi32, #tpu.memory_space<vmem>> -> memref<1x1x128xi32, #tpu.memory_space<vmem>>
      %dma_wait3A_143 = tpu.memref_squeeze %dma_wait3A_142 : memref<1x1x128xi32, #tpu.memory_space<vmem>> -> memref<128xi32, #tpu.memory_space<vmem>>
      %dma_wait3A_144 = arith.constant 0 : i32
      %dma_wait3A_145 = arith.constant 0 : i32
      %dma_wait3A_146 = tpu.memref_slice %arg2[%dma_wait3A_144, %dma_wait3A_145] : memref<10000x128xf32, #tpu.memory_space<hbm>> -> memref<10000x128xf32, #tpu.memory_space<hbm>>
      %dma_wait3A_147 = tpu.memref_slice %arg13[%rem3A_135] : memref<2x!tpu.dma_semaphore, #tpu.memory_space<semaphore_mem>> -> memref<1x!tpu.dma_semaphore, #tpu.memory_space<semaphore_mem>>
      %dma_wait3A_148 = tpu.memref_squeeze %dma_wait3A_147 : memref<1x!tpu.dma_semaphore, #tpu.memory_space<semaphore_mem>> -> memref<!tpu.dma_semaphore, #tpu.memory_space<semaphore_mem>>
      tpu.wait_indirect_dma semaphore(%dma_wait3A_148 : memref<!tpu.dma_semaphore, #tpu.memory_space<semaphore_mem>>) src(%dma_wait3A_146 : memref<10000x128xf32, #tpu.memory_space<hbm>>) dst(%dma_wait3A_140 : memref<128x128xf32, #tpu.memory_space<vmem>>)
      %gt3A = arith.constant 0 : i32
      %gt3A_149 = arith.cmpi sgt, %scan3A_133, %gt3A : i32
      %convert_element_type3A = arith.extui %gt3A_149 : i1 to i32
      %cond3A = arith.constant 0 : i32
      %cond3A_150 = arith.cmpi ne, %convert_element_type3A, %cond3A : i32
      scf.if %cond3A_150 {
        %sub3A = arith.constant 1 : i32
        %sub3A_181 = arith.subi %scan3A_133, %sub3A : i32
        %rem3A_182 = arith.constant 2 : i32
        %rem3A_183 = arith.remsi %sub3A_181, %rem3A_182 : i32
        %rem3A_184 = arith.constant 4 : i32
        %rem3A_185 = arith.remsi %sub3A_181, %rem3A_184 : i32
        %dma_wait3A_186 = arith.constant 0 : i32
        %dma_wait3A_187 = arith.constant 0 : i32
        %dma_wait3A_188 = arith.constant 0 : i32
        %dma_wait3A_189 = tpu.memref_slice %arg9[%rem3A_183, %dma_wait3A_187, %dma_wait3A_188] : memref<2x128x128xf32, #tpu.memory_space<vmem>> -> memref<1x128x128xf32, #tpu.memory_space<vmem>>
        %dma_wait3A_190 = tpu.memref_squeeze %dma_wait3A_189 : memref<1x128x128xf32, #tpu.memory_space<vmem>> -> memref<128x128xf32, #tpu.memory_space<vmem>>
        %dma_wait3A_191 = arith.constant 0 : i32
        %dma_wait3A_192 = tpu.memref_slice %arg8[%rem3A_185, %dma_wait3A_186, %dma_wait3A_191] : memref<4x1x128xi32, #tpu.memory_space<vmem>> -> memref<1x1x128xi32, #tpu.memory_space<vmem>>
        %dma_wait3A_193 = tpu.memref_squeeze %dma_wait3A_192 : memref<1x1x128xi32, #tpu.memory_space<vmem>> -> memref<128xi32, #tpu.memory_space<vmem>>
        %dma_wait3A_194 = arith.constant 0 : i32
        %dma_wait3A_195 = arith.constant 0 : i32
        %dma_wait3A_196 = tpu.memref_slice %arg10[%dma_wait3A_194, %dma_wait3A_195] : memref<10240x128xf32, #tpu.memory_space<vmem_shared>> -> memref<10240x128xf32, #tpu.memory_space<vmem_shared>>
        %dma_wait3A_197 = tpu.memref_slice %arg14[%rem3A_183] : memref<2x!tpu.dma_semaphore, #tpu.memory_space<semaphore_mem>> -> memref<1x!tpu.dma_semaphore, #tpu.memory_space<semaphore_mem>>
        %dma_wait3A_198 = tpu.memref_squeeze %dma_wait3A_197 : memref<1x!tpu.dma_semaphore, #tpu.memory_space<semaphore_mem>> -> memref<!tpu.dma_semaphore, #tpu.memory_space<semaphore_mem>>
        tpu.wait_indirect_dma semaphore(%dma_wait3A_198 : memref<!tpu.dma_semaphore, #tpu.memory_space<semaphore_mem>>) src(%dma_wait3A_190 : memref<128x128xf32, #tpu.memory_space<vmem>>) dst(%dma_wait3A_196 : memref<10240x128xf32, #tpu.memory_space<vmem_shared>>)
      } else {
      }
      %add3A_151 = arith.constant 1 : i32
      %add3A_152 = arith.addi %scan3A_133, %add3A_151 : i32
      %lt3A = arith.constant 79 : i32
      %lt3A_153 = arith.cmpi slt, %add3A_152, %lt3A : i32
      %convert_element_type3A_154 = arith.extui %lt3A_153 : i1 to i32
      %cond3A_155 = arith.constant 0 : i32
      %cond3A_156 = arith.cmpi ne, %convert_element_type3A_154, %cond3A_155 : i32
      scf.if %cond3A_156 {
        %add3A_181 = arith.constant 1 : i32
        %add3A_182 = arith.addi %scan3A_133, %add3A_181 : i32
        %rem3A_183 = arith.constant 2 : i32
        %rem3A_184 = arith.remsi %add3A_182, %rem3A_183 : i32
        %rem3A_185 = arith.constant 4 : i32
        %rem3A_186 = arith.remsi %add3A_182, %rem3A_185 : i32
        %mul3A_187 = arith.constant 128 : i32
        %mul3A_188 = arith.muli %add3A_182, %mul3A_187 : i32
        %add3A_189 = arith.addi %mul3A_4, %mul3A_188 : i32
        %dma_wait3A_190 = arith.constant 0 : i32
        %dma_wait3A_191 = arith.constant 0 : i32
        %dma_wait3A_192 = tpu.memref_slice %arg7[%rem3A_184, %dma_wait3A_190, %dma_wait3A_191] : memref<2x1x128xi32, #tpu.memory_space<vmem>> -> memref<1x1x128xi32, #tpu.memory_space<vmem>>
        %dma_wait3A_193 = tpu.memref_squeeze %dma_wait3A_192 : memref<1x1x128xi32, #tpu.memory_space<vmem>> -> memref<128xi32, #tpu.memory_space<vmem>>
        %dma_wait3A_194 = tpu.memref_slice %arg3[%add3A_189] : memref<323584xi32, #tpu.memory_space<hbm>> -> memref<128xi32, #tpu.memory_space<hbm>>
        %dma_wait3A_195 = tpu.memref_slice %arg11[%rem3A_184] : memref<2x!tpu.dma_semaphore, #tpu.memory_space<semaphore_mem>> -> memref<1x!tpu.dma_semaphore, #tpu.memory_space<semaphore_mem>>
        %dma_wait3A_196 = tpu.memref_squeeze %dma_wait3A_195 : memref<1x!tpu.dma_semaphore, #tpu.memory_space<semaphore_mem>> -> memref<!tpu.dma_semaphore, #tpu.memory_space<semaphore_mem>>
        %dma_wait3A_197 = arith.constant 0 : i32
        %dma_wait3A_198 = tpu.memref_slice %arg7[%rem3A_184, %dma_wait3A_190, %dma_wait3A_197] : memref<2x1x128xi32, #tpu.memory_space<vmem>> -> memref<1x1x128xi32, #tpu.memory_space<vmem>>
        %dma_wait3A_199 = tpu.memref_squeeze %dma_wait3A_198 : memref<1x1x128xi32, #tpu.memory_space<vmem>> -> memref<128xi32, #tpu.memory_space<vmem>>
        %dma_wait3A_200 = tpu.memref_slice %arg3[%add3A_189] : memref<323584xi32, #tpu.memory_space<hbm>> -> memref<128xi32, #tpu.memory_space<hbm>>
        tpu.wait_dma2 semaphore(%dma_wait3A_196 : memref<!tpu.dma_semaphore, #tpu.memory_space<semaphore_mem>>) src(%dma_wait3A_200 : memref<128xi32, #tpu.memory_space<hbm>>) dst(%dma_wait3A_199 : memref<128xi32, #tpu.memory_space<vmem>>)
        %dma_wait3A_201 = arith.constant 0 : i32
        %dma_wait3A_202 = arith.constant 0 : i32
        %dma_wait3A_203 = tpu.memref_slice %arg8[%rem3A_186, %dma_wait3A_201, %dma_wait3A_202] : memref<4x1x128xi32, #tpu.memory_space<vmem>> -> memref<1x1x128xi32, #tpu.memory_space<vmem>>
        %dma_wait3A_204 = tpu.memref_squeeze %dma_wait3A_203 : memref<1x1x128xi32, #tpu.memory_space<vmem>> -> memref<128xi32, #tpu.memory_space<vmem>>
        %dma_wait3A_205 = tpu.memref_slice %arg4[%add3A_189] : memref<323584xi32, #tpu.memory_space<hbm>> -> memref<128xi32, #tpu.memory_space<hbm>>
        %dma_wait3A_206 = tpu.memref_slice %arg12[%rem3A_186] : memref<4x!tpu.dma_semaphore, #tpu.memory_space<semaphore_mem>> -> memref<1x!tpu.dma_semaphore, #tpu.memory_space<semaphore_mem>>
        %dma_wait3A_207 = tpu.memref_squeeze %dma_wait3A_206 : memref<1x!tpu.dma_semaphore, #tpu.memory_space<semaphore_mem>> -> memref<!tpu.dma_semaphore, #tpu.memory_space<semaphore_mem>>
        %dma_wait3A_208 = arith.constant 0 : i32
        %dma_wait3A_209 = tpu.memref_slice %arg8[%rem3A_186, %dma_wait3A_201, %dma_wait3A_208] : memref<4x1x128xi32, #tpu.memory_space<vmem>> -> memref<1x1x128xi32, #tpu.memory_space<vmem>>
        %dma_wait3A_210 = tpu.memref_squeeze %dma_wait3A_209 : memref<1x1x128xi32, #tpu.memory_space<vmem>> -> memref<128xi32, #tpu.memory_space<vmem>>
        %dma_wait3A_211 = tpu.memref_slice %arg4[%add3A_189] : memref<323584xi32, #tpu.memory_space<hbm>> -> memref<128xi32, #tpu.memory_space<hbm>>
        tpu.wait_dma2 semaphore(%dma_wait3A_207 : memref<!tpu.dma_semaphore, #tpu.memory_space<semaphore_mem>>) src(%dma_wait3A_211 : memref<128xi32, #tpu.memory_space<hbm>>) dst(%dma_wait3A_210 : memref<128xi32, #tpu.memory_space<vmem>>)
        %add3A_212 = arith.constant 1 : i32
        %add3A_213 = arith.addi %scan3A_133, %add3A_212 : i32
        %rem3A_214 = arith.constant 2 : i32
        %rem3A_215 = arith.remsi %add3A_213, %rem3A_214 : i32
        %dma_start3A_216 = arith.constant 0 : i32
        %dma_start3A_217 = arith.constant 0 : i32
        %dma_start3A_218 = arith.constant 0 : i32
        %dma_start3A_219 = tpu.memref_slice %arg9[%rem3A_215, %dma_start3A_217, %dma_start3A_218] : memref<2x128x128xf32, #tpu.memory_space<vmem>> -> memref<1x128x128xf32, #tpu.memory_space<vmem>>
        %dma_start3A_220 = tpu.memref_squeeze %dma_start3A_219 : memref<1x128x128xf32, #tpu.memory_space<vmem>> -> memref<128x128xf32, #tpu.memory_space<vmem>>
        %dma_start3A_221 = arith.constant 0 : i32
        %dma_start3A_222 = tpu.memref_slice %arg7[%rem3A_215, %dma_start3A_216, %dma_start3A_221] : memref<2x1x128xi32, #tpu.memory_space<vmem>> -> memref<1x1x128xi32, #tpu.memory_space<vmem>>
        %dma_start3A_223 = tpu.memref_squeeze %dma_start3A_222 : memref<1x1x128xi32, #tpu.memory_space<vmem>> -> memref<128xi32, #tpu.memory_space<vmem>>
        %dma_start3A_224 = arith.constant 0 : i32
        %dma_start3A_225 = arith.constant 0 : i32
        %dma_start3A_226 = tpu.memref_slice %arg2[%dma_start3A_224, %dma_start3A_225] : memref<10000x128xf32, #tpu.memory_space<hbm>> -> memref<10000x128xf32, #tpu.memory_space<hbm>>
        %dma_start3A_227 = tpu.memref_slice %arg13[%rem3A_215] : memref<2x!tpu.dma_semaphore, #tpu.memory_space<semaphore_mem>> -> memref<1x!tpu.dma_semaphore, #tpu.memory_space<semaphore_mem>>
        %dma_start3A_228 = tpu.memref_squeeze %dma_start3A_227 : memref<1x!tpu.dma_semaphore, #tpu.memory_space<semaphore_mem>> -> memref<!tpu.dma_semaphore, #tpu.memory_space<semaphore_mem>>
        tpu.enqueue_indirect_dma source(%dma_start3A_226 : memref<10000x128xf32, #tpu.memory_space<hbm>>) target(%dma_start3A_220 : memref<128x128xf32, #tpu.memory_space<vmem>>) offsets(%dma_start3A_223 : memref<128xi32, #tpu.memory_space<vmem>>) semaphore(%dma_start3A_228 : memref<!tpu.dma_semaphore, #tpu.memory_space<semaphore_mem>>)
      } else {
      }
      %rem3A_157 = arith.constant 2 : i32
      %rem3A_158 = arith.remsi %scan3A_133, %rem3A_157 : i32
      %rem3A_159 = arith.constant 4 : i32
      %rem3A_160 = arith.remsi %scan3A_133, %rem3A_159 : i32
      %dma_start3A_161 = arith.constant 0 : i32
      %dma_start3A_162 = arith.constant 0 : i32
      %dma_start3A_163 = arith.constant 0 : i32
      %dma_start3A_164 = tpu.memref_slice %arg9[%rem3A_158, %dma_start3A_162, %dma_start3A_163] : memref<2x128x128xf32, #tpu.memory_space<vmem>> -> memref<1x128x128xf32, #tpu.memory_space<vmem>>
      %dma_start3A_165 = tpu.memref_squeeze %dma_start3A_164 : memref<1x128x128xf32, #tpu.memory_space<vmem>> -> memref<128x128xf32, #tpu.memory_space<vmem>>
      %dma_start3A_166 = arith.constant 0 : i32
      %dma_start3A_167 = tpu.memref_slice %arg8[%rem3A_160, %dma_start3A_161, %dma_start3A_166] : memref<4x1x128xi32, #tpu.memory_space<vmem>> -> memref<1x1x128xi32, #tpu.memory_space<vmem>>
      %dma_start3A_168 = tpu.memref_squeeze %dma_start3A_167 : memref<1x1x128xi32, #tpu.memory_space<vmem>> -> memref<128xi32, #tpu.memory_space<vmem>>
      %dma_start3A_169 = arith.constant 0 : i32
      %dma_start3A_170 = arith.constant 0 : i32
      %dma_start3A_171 = tpu.memref_slice %arg10[%dma_start3A_169, %dma_start3A_170] : memref<10240x128xf32, #tpu.memory_space<vmem_shared>> -> memref<10240x128xf32, #tpu.memory_space<vmem_shared>>
      %dma_start3A_172 = tpu.memref_slice %arg14[%rem3A_158] : memref<2x!tpu.dma_semaphore, #tpu.memory_space<semaphore_mem>> -> memref<1x!tpu.dma_semaphore, #tpu.memory_space<semaphore_mem>>
      %dma_start3A_173 = tpu.memref_squeeze %dma_start3A_172 : memref<1x!tpu.dma_semaphore, #tpu.memory_space<semaphore_mem>> -> memref<!tpu.dma_semaphore, #tpu.memory_space<semaphore_mem>>
      tpu.enqueue_indirect_dma source(%dma_start3A_165 : memref<128x128xf32, #tpu.memory_space<vmem>>) target(%dma_start3A_171 : memref<10240x128xf32, #tpu.memory_space<vmem_shared>>) offsets(%dma_start3A_168 : memref<128xi32, #tpu.memory_space<vmem>>) semaphore(%dma_start3A_173 : memref<!tpu.dma_semaphore, #tpu.memory_space<semaphore_mem>>) {add = true}
      %add3A_174 = arith.constant 2 : i32
      %add3A_175 = arith.addi %scan3A_133, %add3A_174 : i32
      %lt3A_176 = arith.constant 79 : i32
      %lt3A_177 = arith.cmpi slt, %add3A_175, %lt3A_176 : i32
      %convert_element_type3A_178 = arith.extui %lt3A_177 : i1 to i32
      %cond3A_179 = arith.constant 0 : i32
      %cond3A_180 = arith.cmpi ne, %convert_element_type3A_178, %cond3A_179 : i32
      scf.if %cond3A_180 {
        %add3A_181 = arith.constant 2 : i32
        %add3A_182 = arith.addi %scan3A_133, %add3A_181 : i32
        %rem3A_183 = arith.constant 2 : i32
        %rem3A_184 = arith.remsi %add3A_182, %rem3A_183 : i32
        %rem3A_185 = arith.constant 4 : i32
        %rem3A_186 = arith.remsi %add3A_182, %rem3A_185 : i32
        %mul3A_187 = arith.constant 128 : i32
        %mul3A_188 = arith.muli %add3A_182, %mul3A_187 : i32
        %add3A_189 = arith.addi %mul3A_4, %mul3A_188 : i32
        %dma_start3A_190 = arith.constant 0 : i32
        %dma_start3A_191 = arith.constant 0 : i32
        %dma_start3A_192 = tpu.memref_slice %arg7[%rem3A_184, %dma_start3A_190, %dma_start3A_191] : memref<2x1x128xi32, #tpu.memory_space<vmem>> -> memref<1x1x128xi32, #tpu.memory_space<vmem>>
        %dma_start3A_193 = tpu.memref_squeeze %dma_start3A_192 : memref<1x1x128xi32, #tpu.memory_space<vmem>> -> memref<128xi32, #tpu.memory_space<vmem>>
        %dma_start3A_194 = tpu.memref_slice %arg3[%add3A_189] : memref<323584xi32, #tpu.memory_space<hbm>> -> memref<128xi32, #tpu.memory_space<hbm>>
        %dma_start3A_195 = tpu.memref_slice %arg11[%rem3A_184] : memref<2x!tpu.dma_semaphore, #tpu.memory_space<semaphore_mem>> -> memref<1x!tpu.dma_semaphore, #tpu.memory_space<semaphore_mem>>
        %dma_start3A_196 = tpu.memref_squeeze %dma_start3A_195 : memref<1x!tpu.dma_semaphore, #tpu.memory_space<semaphore_mem>> -> memref<!tpu.dma_semaphore, #tpu.memory_space<semaphore_mem>>
        %dma_start3A_197 = arith.constant 0 : i32
        %dma_start3A_198 = tpu.memref_slice %arg7[%rem3A_184, %dma_start3A_190, %dma_start3A_197] : memref<2x1x128xi32, #tpu.memory_space<vmem>> -> memref<1x1x128xi32, #tpu.memory_space<vmem>>
        %dma_start3A_199 = tpu.memref_squeeze %dma_start3A_198 : memref<1x1x128xi32, #tpu.memory_space<vmem>> -> memref<128xi32, #tpu.memory_space<vmem>>
        %dma_start3A_200 = tpu.memref_slice %arg3[%add3A_189] : memref<323584xi32, #tpu.memory_space<hbm>> -> memref<128xi32, #tpu.memory_space<hbm>>
        tpu.enqueue_dma source(%dma_start3A_200 : memref<128xi32, #tpu.memory_space<hbm>>) target(%dma_start3A_199 : memref<128xi32, #tpu.memory_space<vmem>>) target_semaphore(%dma_start3A_196 : memref<!tpu.dma_semaphore, #tpu.memory_space<semaphore_mem>>)
        %dma_start3A_201 = arith.constant 0 : i32
        %dma_start3A_202 = arith.constant 0 : i32
        %dma_start3A_203 = tpu.memref_slice %arg8[%rem3A_186, %dma_start3A_201, %dma_start3A_202] : memref<4x1x128xi32, #tpu.memory_space<vmem>> -> memref<1x1x128xi32, #tpu.memory_space<vmem>>
        %dma_start3A_204 = tpu.memref_squeeze %dma_start3A_203 : memref<1x1x128xi32, #tpu.memory_space<vmem>> -> memref<128xi32, #tpu.memory_space<vmem>>
        %dma_start3A_205 = tpu.memref_slice %arg4[%add3A_189] : memref<323584xi32, #tpu.memory_space<hbm>> -> memref<128xi32, #tpu.memory_space<hbm>>
        %dma_start3A_206 = tpu.memref_slice %arg12[%rem3A_186] : memref<4x!tpu.dma_semaphore, #tpu.memory_space<semaphore_mem>> -> memref<1x!tpu.dma_semaphore, #tpu.memory_space<semaphore_mem>>
        %dma_start3A_207 = tpu.memref_squeeze %dma_start3A_206 : memref<1x!tpu.dma_semaphore, #tpu.memory_space<semaphore_mem>> -> memref<!tpu.dma_semaphore, #tpu.memory_space<semaphore_mem>>
        %dma_start3A_208 = arith.constant 0 : i32
        %dma_start3A_209 = tpu.memref_slice %arg8[%rem3A_186, %dma_start3A_201, %dma_start3A_208] : memref<4x1x128xi32, #tpu.memory_space<vmem>> -> memref<1x1x128xi32, #tpu.memory_space<vmem>>
        %dma_start3A_210 = tpu.memref_squeeze %dma_start3A_209 : memref<1x1x128xi32, #tpu.memory_space<vmem>> -> memref<128xi32, #tpu.memory_space<vmem>>
        %dma_start3A_211 = tpu.memref_slice %arg4[%add3A_189] : memref<323584xi32, #tpu.memory_space<hbm>> -> memref<128xi32, #tpu.memory_space<hbm>>
        tpu.enqueue_dma source(%dma_start3A_211 : memref<128xi32, #tpu.memory_space<hbm>>) target(%dma_start3A_210 : memref<128xi32, #tpu.memory_space<vmem>>) target_semaphore(%dma_start3A_207 : memref<!tpu.dma_semaphore, #tpu.memory_space<semaphore_mem>>)
      } else {
      }
    }
    %scan3A_112 = arith.constant 79 : i32
    %rem3A_113 = arith.constant 78 : i32
    %rem3A_114 = arith.constant 2 : i32
    %rem3A_115 = arith.remsi %rem3A_113, %rem3A_114 : i32
    %rem3A_116 = arith.constant 78 : i32
    %rem3A_117 = arith.constant 4 : i32
    %rem3A_118 = arith.remsi %rem3A_116, %rem3A_117 : i32
    %dma_wait3A_119 = arith.constant 0 : i32
    %dma_wait3A_120 = arith.constant 0 : i32
    %dma_wait3A_121 = arith.constant 0 : i32
    %dma_wait3A_122 = tpu.memref_slice %arg9[%rem3A_115, %dma_wait3A_120, %dma_wait3A_121] : memref<2x128x128xf32, #tpu.memory_space<vmem>> -> memref<1x128x128xf32, #tpu.memory_space<vmem>>
    %dma_wait3A_123 = tpu.memref_squeeze %dma_wait3A_122 : memref<1x128x128xf32, #tpu.memory_space<vmem>> -> memref<128x128xf32, #tpu.memory_space<vmem>>
    %dma_wait3A_124 = arith.constant 0 : i32
    %dma_wait3A_125 = tpu.memref_slice %arg8[%rem3A_118, %dma_wait3A_119, %dma_wait3A_124] : memref<4x1x128xi32, #tpu.memory_space<vmem>> -> memref<1x1x128xi32, #tpu.memory_space<vmem>>
    %dma_wait3A_126 = tpu.memref_squeeze %dma_wait3A_125 : memref<1x1x128xi32, #tpu.memory_space<vmem>> -> memref<128xi32, #tpu.memory_space<vmem>>
    %dma_wait3A_127 = arith.constant 0 : i32
    %dma_wait3A_128 = arith.constant 0 : i32
    %dma_wait3A_129 = tpu.memref_slice %arg10[%dma_wait3A_127, %dma_wait3A_128] : memref<10240x128xf32, #tpu.memory_space<vmem_shared>> -> memref<10240x128xf32, #tpu.memory_space<vmem_shared>>
    %dma_wait3A_130 = tpu.memref_slice %arg14[%rem3A_115] : memref<2x!tpu.dma_semaphore, #tpu.memory_space<semaphore_mem>> -> memref<1x!tpu.dma_semaphore, #tpu.memory_space<semaphore_mem>>
    %dma_wait3A_131 = tpu.memref_squeeze %dma_wait3A_130 : memref<1x!tpu.dma_semaphore, #tpu.memory_space<semaphore_mem>> -> memref<!tpu.dma_semaphore, #tpu.memory_space<semaphore_mem>>
    tpu.wait_indirect_dma semaphore(%dma_wait3A_131 : memref<!tpu.dma_semaphore, #tpu.memory_space<semaphore_mem>>) src(%dma_wait3A_123 : memref<128x128xf32, #tpu.memory_space<vmem>>) dst(%dma_wait3A_129 : memref<10240x128xf32, #tpu.memory_space<vmem_shared>>)
    %barrier3A_132 = arith.constant 0 : index
    tpu.barrier barrier_id(%barrier3A_132)
    "tpu.region"() ({
      %run_scoped3A = tpu.sem_alloc : memref<!tpu.dma_semaphore, #tpu.memory_space<semaphore_mem>>
      %dma_start3A_133 = arith.constant 0 : i32
      %dma_start3A_134 = tpu.memref_slice %arg6[%arg0, %mul3A_2, %dma_start3A_133] : memref<2x10240x128xf32, #tpu.memory_space<hbm>> -> memref<1x640x128xf32, #tpu.memory_space<hbm>>
      %dma_start3A_135 = tpu.memref_squeeze %dma_start3A_134 : memref<1x640x128xf32, #tpu.memory_space<hbm>> -> memref<640x128xf32, #tpu.memory_space<hbm>>
      %dma_start3A_136 = arith.constant 0 : i32
      %dma_start3A_137 = tpu.memref_slice %arg10[%mul3A_2, %dma_start3A_136] : memref<10240x128xf32, #tpu.memory_space<vmem_shared>> -> memref<640x128xf32, #tpu.memory_space<vmem_shared>>
      tpu.enqueue_dma source(%dma_start3A_137 : memref<640x128xf32, #tpu.memory_space<vmem_shared>>) target(%dma_start3A_135 : memref<640x128xf32, #tpu.memory_space<hbm>>) target_semaphore(%run_scoped3A : memref<!tpu.dma_semaphore, #tpu.memory_space<semaphore_mem>>)
      %dma_wait3A_138 = arith.constant 0 : i32
      %dma_wait3A_139 = tpu.memref_slice %arg6[%arg0, %mul3A_2, %dma_wait3A_138] : memref<2x10240x128xf32, #tpu.memory_space<hbm>> -> memref<1x640x128xf32, #tpu.memory_space<hbm>>
      %dma_wait3A_140 = tpu.memref_squeeze %dma_wait3A_139 : memref<1x640x128xf32, #tpu.memory_space<hbm>> -> memref<640x128xf32, #tpu.memory_space<hbm>>
      %dma_wait3A_141 = arith.constant 0 : i32
      %dma_wait3A_142 = tpu.memref_slice %arg10[%mul3A_2, %dma_wait3A_141] : memref<10240x128xf32, #tpu.memory_space<vmem_shared>> -> memref<640x128xf32, #tpu.memory_space<vmem_shared>>
      tpu.wait_dma2 semaphore(%run_scoped3A : memref<!tpu.dma_semaphore, #tpu.memory_space<semaphore_mem>>) src(%dma_wait3A_142 : memref<640x128xf32, #tpu.memory_space<vmem_shared>>) dst(%dma_wait3A_140 : memref<640x128xf32, #tpu.memory_space<hbm>>)
      tpu.yield
    }) : () -> ()
    return
  }
}

module attributes {stable_mosaic.version = 14 : i64} {
  func.func @body(%arg0: i32, %arg1: memref<2000x128xf32, #tpu.memory_space<vmem>>, %arg2: memref<128x128xf32, #tpu.memory_space<vmem>>, %arg3: memref<2x2000x1xf32, #tpu.memory_space<vmem>>, %arg4: memref<2000x128xf32, #tpu.memory_space<vmem>>) attributes {dimension_semantics = [#tpu.dimension_semantics<arbitrary>], iteration_bounds = array<i64: 5>, scalar_prefetch = 0 : i64, scratch_operands = 0 : i64, tpu.core_type = #tpu.core_type<tc>, window_params = [{transform_indices = @transform_0, window_bounds = array<i64: 2000, 128>}, {pipeline_mode = #tpu.pipeline_mode<synchronous>, transform_indices = @transform_1, window_bounds = array<i64: 128, 128>}, {transform_indices = @transform_2, window_bounds = array<i64: 2, 2000, 1>}, {transform_indices = @transform_3, window_bounds = array<i64: 2000, 128>}]} {
    %get3A = arith.constant 0 : index
    %get3A_0 = arith.constant 0 : index
    %get3A_1 = vector.load %arg1[%get3A, %get3A_0] : memref<2000x128xf32, #tpu.memory_space<vmem>>, vector<2000x128xf32>
    %get3A_2 = arith.constant 0 : index
    %get3A_3 = arith.constant 0 : index
    %get3A_4 = vector.load %arg2[%get3A_2, %get3A_3] : memref<128x128xf32, #tpu.memory_space<vmem>>, vector<128x128xf32>
    %dot_general3A = arith.constant dense<0.000000e+00> : vector<2000x128xf32>
    %dot_general3A_5 = tpu.matmul %get3A_1, %get3A_4, %dot_general3A {dimension_numbers = #tpu.dot_dimension_numbers<[1], [0], [0], [1], [0, 0, 1, 1], [], []>, transpose_lhs_hint = false} : vector<2000x128xf32>, vector<128x128xf32>, vector<2000x128xf32> -> vector<2000x128xf32>
    %get3A_6 = arith.constant 0 : index
    %get3A_7 = arith.constant 0 : index
    %get3A_8 = arith.constant 0 : index
    %get3A_9 = vector.load %arg3[%get3A_6, %get3A_7, %get3A_8] : memref<2x2000x1xf32, #tpu.memory_space<vmem>>, vector<1x2000x1xf32>
    %get3A_10 = vector.shape_cast %get3A_9 : vector<1x2000x1xf32> to vector<2000x1xf32>
    %get3A_11 = arith.constant 1 : index
    %get3A_12 = arith.constant 0 : index
    %get3A_13 = arith.constant 0 : index
    %get3A_14 = vector.load %arg3[%get3A_11, %get3A_12, %get3A_13] : memref<2x2000x1xf32, #tpu.memory_space<vmem>>, vector<1x2000x1xf32>
    %get3A_15 = vector.shape_cast %get3A_14 : vector<1x2000x1xf32> to vector<2000x1xf32>
    %add3A = arith.addf %get3A_10, %get3A_15 : vector<2000x1xf32>
    %add3A_16 = arith.constant 1.000000e+00 : f32
    %add3A_17 = vector.broadcast %add3A_16 : f32 to vector<2000x1xf32>
    %add3A_18 = arith.addf %add3A, %add3A_17 : vector<2000x1xf32>
    %rsqrt3A = math.rsqrt %add3A_18 : vector<2000x1xf32>
    %mul3A = vector.broadcast %rsqrt3A : vector<2000x1xf32> to vector<2000x128xf32>
    %mul3A_19 = arith.mulf %dot_general3A_5, %mul3A : vector<2000x128xf32>
    %swap3A = arith.constant 0 : index
    %swap3A_20 = arith.constant 0 : index
    %swap3A_21 = vector.load %arg4[%swap3A, %swap3A_20] : memref<2000x128xf32, #tpu.memory_space<vmem>>, vector<2000x128xf32>
    tpu.vector_store %arg4[%swap3A, %swap3A_20], %mul3A_19 {strides = array<i32>} : memref<2000x128xf32, #tpu.memory_space<vmem>>, vector<2000x128xf32>,
    return
  }
  func.func @transform_0(%arg0: i32) -> (i32, i32) {
    %c0_i32 = arith.constant 0 : i32
    %c0_i32_0 = arith.constant 0 : i32
    return %arg0, %c0_i32 : i32, i32
  }
  func.func @transform_1(%arg0: i32) -> (i32, i32) {
    %c0_i32 = arith.constant 0 : i32
    %c0_i32_0 = arith.constant 0 : i32
    %c0_i32_1 = arith.constant 0 : i32
    return %c0_i32, %c0_i32_0 : i32, i32
  }
  func.func @transform_2(%arg0: i32) -> (i32, i32, i32) {
    %c0_i32 = arith.constant 0 : i32
    %c0_i32_0 = arith.constant 0 : i32
    %c0_i32_1 = arith.constant 0 : i32
    return %c0_i32, %arg0, %c0_i32_0 : i32, i32, i32
  }
  func.func @transform_3(%arg0: i32) -> (i32, i32) {
    %c0_i32 = arith.constant 0 : i32
    %c0_i32_0 = arith.constant 0 : i32
    return %arg0, %c0_i32 : i32, i32
  }
}

module attributes {stable_mosaic.version = 14 : i64} {
  func.func @body(%arg0: i32, %arg1: memref<2x2000x128xf32, #tpu.memory_space<vmem>>, %arg2: memref<2000x128xf32, #tpu.memory_space<vmem>>, %arg3: memref<2x2000x1xf32, #tpu.memory_space<vmem>>, %arg4: memref<1x64xf32, #tpu.memory_space<vmem>>, %arg5: memref<2000x64xf32, #tpu.memory_space<vmem>>) attributes {dimension_semantics = [#tpu.dimension_semantics<arbitrary>], iteration_bounds = array<i64: 5>, scalar_prefetch = 0 : i64, scratch_operands = 0 : i64, tpu.core_type = #tpu.core_type<tc>, window_params = [{transform_indices = @transform_0, window_bounds = array<i64: 2, 2000, 128>}, {transform_indices = @transform_1, window_bounds = array<i64: 2000, 128>}, {transform_indices = @transform_2, window_bounds = array<i64: 2, 2000, 1>}, {pipeline_mode = #tpu.pipeline_mode<synchronous>, transform_indices = @transform_3, window_bounds = array<i64: 1, 64>}, {transform_indices = @transform_4, window_bounds = array<i64: 2000, 64>}]} {
    %get3A = arith.constant 0 : index
    %get3A_0 = arith.constant 0 : index
    %get3A_1 = arith.constant 0 : index
    %get3A_2 = vector.load %arg3[%get3A, %get3A_0, %get3A_1] : memref<2x2000x1xf32, #tpu.memory_space<vmem>>, vector<1x2000x1xf32>
    %get3A_3 = vector.shape_cast %get3A_2 : vector<1x2000x1xf32> to vector<2000x1xf32>
    %get3A_4 = arith.constant 1 : index
    %get3A_5 = arith.constant 0 : index
    %get3A_6 = arith.constant 0 : index
    %get3A_7 = vector.load %arg3[%get3A_4, %get3A_5, %get3A_6] : memref<2x2000x1xf32, #tpu.memory_space<vmem>>, vector<1x2000x1xf32>
    %get3A_8 = vector.shape_cast %get3A_7 : vector<1x2000x1xf32> to vector<2000x1xf32>
    %add3A = arith.addf %get3A_3, %get3A_8 : vector<2000x1xf32>
    %add3A_9 = arith.constant 1.000000e+00 : f32
    %add3A_10 = vector.broadcast %add3A_9 : f32 to vector<2000x1xf32>
    %add3A_11 = arith.addf %add3A, %add3A_10 : vector<2000x1xf32>
    %rsqrt3A = math.rsqrt %add3A_11 : vector<2000x1xf32>
    %get3A_12 = arith.constant 0 : index
    %get3A_13 = arith.constant 0 : index
    %get3A_14 = arith.constant 0 : index
    %get3A_15 = vector.load %arg1[%get3A_12, %get3A_13, %get3A_14] : memref<2x2000x128xf32, #tpu.memory_space<vmem>>, vector<1x2000x64xf32>
    %get3A_16 = vector.shape_cast %get3A_15 : vector<1x2000x64xf32> to vector<2000x64xf32>
    %get3A_17 = arith.constant 1 : index
    %get3A_18 = arith.constant 0 : index
    %get3A_19 = arith.constant 0 : index
    %get3A_20 = vector.load %arg1[%get3A_17, %get3A_18, %get3A_19] : memref<2x2000x128xf32, #tpu.memory_space<vmem>>, vector<1x2000x64xf32>
    %get3A_21 = vector.shape_cast %get3A_20 : vector<1x2000x64xf32> to vector<2000x64xf32>
    %add3A_22 = arith.addf %get3A_16, %get3A_21 : vector<2000x64xf32>
    %get3A_23 = arith.constant 0 : index
    %get3A_24 = arith.constant 0 : index
    %get3A_25 = vector.load %arg2[%get3A_23, %get3A_24] : memref<2000x128xf32, #tpu.memory_space<vmem>>, vector<2000x64xf32>
    %add3A_26 = arith.addf %add3A_22, %get3A_25 : vector<2000x64xf32>
    %mul3A = vector.broadcast %rsqrt3A : vector<2000x1xf32> to vector<2000x64xf32>
    %mul3A_27 = arith.mulf %add3A_26, %mul3A : vector<2000x64xf32>
    %get3A_28 = arith.constant 0 : index
    %get3A_29 = arith.constant 0 : index
    %get3A_30 = vector.load %arg4[%get3A_28, %get3A_29] : memref<1x64xf32, #tpu.memory_space<vmem>>, vector<1x64xf32>
    %add3A_31 = vector.broadcast %get3A_30 : vector<1x64xf32> to vector<2000x64xf32>
    %add3A_32 = arith.addf %mul3A_27, %add3A_31 : vector<2000x64xf32>
    %max3A = arith.constant 0.000000e+00 : f32
    %max3A_33 = vector.broadcast %max3A : f32 to vector<2000x64xf32>
    %max3A_34 = arith.maximumf %add3A_32, %max3A_33 : vector<2000x64xf32>
    %swap3A = arith.constant 0 : index
    %swap3A_35 = arith.constant 0 : index
    %swap3A_36 = vector.load %arg5[%swap3A, %swap3A_35] : memref<2000x64xf32, #tpu.memory_space<vmem>>, vector<2000x64xf32>
    tpu.vector_store %arg5[%swap3A, %swap3A_35], %max3A_34 {strides = array<i32>} : memref<2000x64xf32, #tpu.memory_space<vmem>>, vector<2000x64xf32>,
    return
  }
  func.func @transform_0(%arg0: i32) -> (i32, i32, i32) {
    %c0_i32 = arith.constant 0 : i32
    %c0_i32_0 = arith.constant 0 : i32
    %c0_i32_1 = arith.constant 0 : i32
    return %c0_i32, %arg0, %c0_i32_0 : i32, i32, i32
  }
  func.func @transform_1(%arg0: i32) -> (i32, i32) {
    %c0_i32 = arith.constant 0 : i32
    %c0_i32_0 = arith.constant 0 : i32
    return %arg0, %c0_i32 : i32, i32
  }
  func.func @transform_2(%arg0: i32) -> (i32, i32, i32) {
    %c0_i32 = arith.constant 0 : i32
    %c0_i32_0 = arith.constant 0 : i32
    %c0_i32_1 = arith.constant 0 : i32
    return %c0_i32, %arg0, %c0_i32_0 : i32, i32, i32
  }
  func.func @transform_3(%arg0: i32) -> (i32, i32) {
    %c0_i32 = arith.constant 0 : i32
    %c0_i32_0 = arith.constant 0 : i32
    %c0_i32_1 = arith.constant 0 : i32
    return %c0_i32, %c0_i32_0 : i32, i32
  }
  func.func @transform_4(%arg0: i32) -> (i32, i32) {
    %c0_i32 = arith.constant 0 : i32
    %c0_i32_0 = arith.constant 0 : i32
    return %arg0, %c0_i32 : i32, i32
  }
}

module attributes {stable_mosaic.version = 14 : i64} {
  func.func @body(%arg0: i32, %arg1: memref<2x2000x128xf32, #tpu.memory_space<vmem>>, %arg2: memref<2000x128xf32, #tpu.memory_space<vmem>>, %arg3: memref<2x2000x1xf32, #tpu.memory_space<vmem>>, %arg4: memref<1x128xf32, #tpu.memory_space<vmem>>, %arg5: memref<128x128xf32, #tpu.memory_space<vmem>>, %arg6: memref<2000x128xf32, #tpu.memory_space<vmem>>) attributes {dimension_semantics = [#tpu.dimension_semantics<arbitrary>], iteration_bounds = array<i64: 5>, scalar_prefetch = 0 : i64, scratch_operands = 0 : i64, tpu.core_type = #tpu.core_type<tc>, window_params = [{transform_indices = @transform_0, window_bounds = array<i64: 2, 2000, 128>}, {transform_indices = @transform_1, window_bounds = array<i64: 2000, 128>}, {transform_indices = @transform_2, window_bounds = array<i64: 2, 2000, 1>}, {pipeline_mode = #tpu.pipeline_mode<synchronous>, transform_indices = @transform_3, window_bounds = array<i64: 1, 128>}, {pipeline_mode = #tpu.pipeline_mode<synchronous>, transform_indices = @transform_4, window_bounds = array<i64: 128, 128>}, {transform_indices = @transform_5, window_bounds = array<i64: 2000, 128>}]} {
    %get3A = arith.constant 0 : index
    %get3A_0 = arith.constant 0 : index
    %get3A_1 = arith.constant 0 : index
    %get3A_2 = vector.load %arg3[%get3A, %get3A_0, %get3A_1] : memref<2x2000x1xf32, #tpu.memory_space<vmem>>, vector<1x2000x1xf32>
    %get3A_3 = vector.shape_cast %get3A_2 : vector<1x2000x1xf32> to vector<2000x1xf32>
    %get3A_4 = arith.constant 1 : index
    %get3A_5 = arith.constant 0 : index
    %get3A_6 = arith.constant 0 : index
    %get3A_7 = vector.load %arg3[%get3A_4, %get3A_5, %get3A_6] : memref<2x2000x1xf32, #tpu.memory_space<vmem>>, vector<1x2000x1xf32>
    %get3A_8 = vector.shape_cast %get3A_7 : vector<1x2000x1xf32> to vector<2000x1xf32>
    %add3A = arith.addf %get3A_3, %get3A_8 : vector<2000x1xf32>
    %add3A_9 = arith.constant 1.000000e+00 : f32
    %add3A_10 = vector.broadcast %add3A_9 : f32 to vector<2000x1xf32>
    %add3A_11 = arith.addf %add3A, %add3A_10 : vector<2000x1xf32>
    %rsqrt3A = math.rsqrt %add3A_11 : vector<2000x1xf32>
    %get3A_12 = arith.constant 0 : index
    %get3A_13 = arith.constant 0 : index
    %get3A_14 = arith.constant 0 : index
    %get3A_15 = vector.load %arg1[%get3A_12, %get3A_13, %get3A_14] : memref<2x2000x128xf32, #tpu.memory_space<vmem>>, vector<1x2000x128xf32>
    %get3A_16 = vector.shape_cast %get3A_15 : vector<1x2000x128xf32> to vector<2000x128xf32>
    %get3A_17 = arith.constant 1 : index
    %get3A_18 = arith.constant 0 : index
    %get3A_19 = arith.constant 0 : index
    %get3A_20 = vector.load %arg1[%get3A_17, %get3A_18, %get3A_19] : memref<2x2000x128xf32, #tpu.memory_space<vmem>>, vector<1x2000x128xf32>
    %get3A_21 = vector.shape_cast %get3A_20 : vector<1x2000x128xf32> to vector<2000x128xf32>
    %add3A_22 = arith.addf %get3A_16, %get3A_21 : vector<2000x128xf32>
    %get3A_23 = arith.constant 0 : index
    %get3A_24 = arith.constant 0 : index
    %get3A_25 = vector.load %arg2[%get3A_23, %get3A_24] : memref<2000x128xf32, #tpu.memory_space<vmem>>, vector<2000x128xf32>
    %add3A_26 = arith.addf %add3A_22, %get3A_25 : vector<2000x128xf32>
    %mul3A = vector.broadcast %rsqrt3A : vector<2000x1xf32> to vector<2000x128xf32>
    %mul3A_27 = arith.mulf %add3A_26, %mul3A : vector<2000x128xf32>
    %get3A_28 = arith.constant 0 : index
    %get3A_29 = arith.constant 0 : index
    %get3A_30 = vector.load %arg4[%get3A_28, %get3A_29] : memref<1x128xf32, #tpu.memory_space<vmem>>, vector<1x128xf32>
    %add3A_31 = vector.broadcast %get3A_30 : vector<1x128xf32> to vector<2000x128xf32>
    %add3A_32 = arith.addf %mul3A_27, %add3A_31 : vector<2000x128xf32>
    %max3A = arith.constant 0.000000e+00 : f32
    %max3A_33 = vector.broadcast %max3A : f32 to vector<2000x128xf32>
    %max3A_34 = arith.maximumf %add3A_32, %max3A_33 : vector<2000x128xf32>
    %get3A_35 = arith.constant 0 : index
    %get3A_36 = arith.constant 0 : index
    %get3A_37 = vector.load %arg5[%get3A_35, %get3A_36] : memref<128x128xf32, #tpu.memory_space<vmem>>, vector<128x128xf32>
    %dot_general3A = arith.constant dense<0.000000e+00> : vector<2000x128xf32>
    %dot_general3A_38 = tpu.matmul %max3A_34, %get3A_37, %dot_general3A {dimension_numbers = #tpu.dot_dimension_numbers<[1], [0], [0], [1], [0, 0, 1, 1], [], []>, transpose_lhs_hint = false} : vector<2000x128xf32>, vector<128x128xf32>, vector<2000x128xf32> -> vector<2000x128xf32>
    %mul3A_39 = vector.broadcast %rsqrt3A : vector<2000x1xf32> to vector<2000x128xf32>
    %mul3A_40 = arith.mulf %dot_general3A_38, %mul3A_39 : vector<2000x128xf32>
    %swap3A = arith.constant 0 : index
    %swap3A_41 = arith.constant 0 : index
    %swap3A_42 = vector.load %arg6[%swap3A, %swap3A_41] : memref<2000x128xf32, #tpu.memory_space<vmem>>, vector<2000x128xf32>
    tpu.vector_store %arg6[%swap3A, %swap3A_41], %mul3A_40 {strides = array<i32>} : memref<2000x128xf32, #tpu.memory_space<vmem>>, vector<2000x128xf32>,
    return
  }
  func.func @transform_0(%arg0: i32) -> (i32, i32, i32) {
    %c0_i32 = arith.constant 0 : i32
    %c0_i32_0 = arith.constant 0 : i32
    %c0_i32_1 = arith.constant 0 : i32
    return %c0_i32, %arg0, %c0_i32_0 : i32, i32, i32
  }
  func.func @transform_1(%arg0: i32) -> (i32, i32) {
    %c0_i32 = arith.constant 0 : i32
    %c0_i32_0 = arith.constant 0 : i32
    return %arg0, %c0_i32 : i32, i32
  }
  func.func @transform_2(%arg0: i32) -> (i32, i32, i32) {
    %c0_i32 = arith.constant 0 : i32
    %c0_i32_0 = arith.constant 0 : i32
    %c0_i32_1 = arith.constant 0 : i32
    return %c0_i32, %arg0, %c0_i32_0 : i32, i32, i32
  }
  func.func @transform_3(%arg0: i32) -> (i32, i32) {
    %c0_i32 = arith.constant 0 : i32
    %c0_i32_0 = arith.constant 0 : i32
    %c0_i32_1 = arith.constant 0 : i32
    return %c0_i32, %c0_i32_0 : i32, i32
  }
  func.func @transform_4(%arg0: i32) -> (i32, i32) {
    %c0_i32 = arith.constant 0 : i32
    %c0_i32_0 = arith.constant 0 : i32
    %c0_i32_1 = arith.constant 0 : i32
    return %c0_i32, %c0_i32_0 : i32, i32
  }
  func.func @transform_5(%arg0: i32) -> (i32, i32) {
    %c0_i32 = arith.constant 0 : i32
    %c0_i32_0 = arith.constant 0 : i32
    return %arg0, %c0_i32 : i32, i32
  }
}

</mosaic_0001>

<sc_bundles>
// kernel: kernel.11.cloned.1.call-start
scs
__scs_entry_jumppad:
0x0: {  	(pc) =	sbr.rel $0x88, $3  }
0x1: {  	(tag) =	ssettag $0x0;
	lr =	simm.s32 $0x1  }
0x2: {  	[smem:$0x3F9B] =	sst lr;
	_ =	strace $0xD0000000  }
0x3: {  	_ = 	snop  }
0x4: {  	_ = 	snop  }
0x5: {  	_ = 	snop  }
0x6: {  	_ = 	snop  }
0x7: {  	_ = 	snop  }
__scs_overlays_trampoline_lowered:
0x8: {  	[smem:$0x3FAA] =	sst s0  }
0x9: {  	[smem:$0x3FAB] =	sst s1  }
0xa: {  	[smem:$0x3FAC] =	sst s2  }
0xb: {  	[smem:$0x3FAD] =	sst s3  }
0xc: {  	[smem:$0x3FAE] =	sst s4  }
0xd: {  	[smem:$0x3FAF] =	sst s5  }
0xe: {  	[smem:$0x3FB0] =	sst s6  }
0xf: {  	[smem:$0x3FB1] =	sst s7  }
0x10: {  	[smem:$0x3FB2] =	sst s8  }
0x11: {  	[smem:$0x3FB3] =	sst s9;
	s0 =	simm.s32 @!p0 $0x0  }
0x12: {  	s1 =	sld [smem:$0x3F99];
	s0 =	simm.s32 @p0 $0x1  }
0x13: {  	[smem:$0x3FB4] =	sst s0;
	s0 =	simm.s32 @!p1 $0x0  }
0x14: {  	s2 =	sld [smem:$0x3F98];
	s0 =	simm.s32 @p1 $0x1  }
0x15: {  	[smem:$0x3FB5] =	sst s0;
	s0 =	simm.s32 @!p2 $0x0  }
0x16: {  	s3 =	sld [smem:$0x3FDB];
	s0 =	simm.s32 @p2 $0x1  }
0x17: {  	s4 =	simm.s32 $0x1BF5;
	[smem:$0x3FB7] =	sst s0  }
0x18: {  	s0 =	sld [smem:$0x3F9A];
	_ =	swait.ge [sflag:s4], $0x0  }
0x19: {  	s7 =	sld [smem:$0x3F9B]  }
0x1a: {  	s8 =	sadd.s32 $0xFFFFE003, lr  }
0x1b: {  	s9 =	sadd.s32 $0xFFFFFEF7, lr;
	s5 =	simm.s32 $0xFFFFFFFF;
	p2 =	slt.u32 s8, $0xFFFFF086  }
0x1c: {  	p1 =	slt.u32 s9, $0xF7A;
	s5 =	simm.s32 @!p2 $0x0  }
0x1d: {  	s5 =	simm.s32 @p1 $0x1;
	p0 =	seq.s32 s7, s2  }
0x1e: {  	s7 =	smul.u32 @!p0 $0xF7A, s2;
	p2 =	seq.s32 @!p0 s5, $0x0  }
0x1f: {  	s9 =	smul.u32 $0xF7A, s1;
	s8 =	simm.s32 @!p0 $0x1BF5;
	p2 =	por !p2, p0  }
0x20: {  	[sflag:s8] =	ssyncset.s32 @!p0 $0xFFFFF086;
	s6 =	sadd.s32 @!p0 s3, s7;
	s7 =	simm.s32 @!p0 $0x108  }
0x21: {  	s3 =	sadd.s32 s3, s9;
	s6 =	sadd.s32 @!p0 $0x88, s6;
	s7 =	simm.s32 @p2 $0x1082  }
0x22: {  	[simem:s7], [sflag:s8] =	dma.local @!p0 [hbm:s6], $0xF7A  }
0x23: {  	s9 =	sor.u32 $0xD0000000, s2;
	s6 =	simm.s32 $0x108;
	_ =	swait.ge @!p0 [sflag:s8], $0x0  }
0x24: {  	s3 =	sadd.s32 $0x88, s3;
	s6 =	simm.s32 @!p1 $0x1082;
	[sflag:s4] =	ssyncset.s32 $0xFFFFF086  }
0x25: {  	[simem:s6], [sflag:s4] =	dma.local [hbm:s3], $0xF7A  }
0x26: {  	[smem:$0x3F9B] =	sst s1;
	(tag) =	ssettag s2;
	_ =	strace s9  }
0x27: {  	s1 =	sld [smem:$0x3FAB]  }
0x28: {  	s2 =	sld [smem:$0x3FAC]  }
0x29: {  	s4 =	sld [smem:$0x3FAE]  }
0x2a: {  	p0 =	seq.s32 s5, $0x0;
	s5 =	sld [smem:$0x3FAF]  }
0x2b: {  	s6 =	sld [smem:$0x3FB0]  }
0x2c: {  	s7 =	sld [smem:$0x3FB1]  }
0x2d: {  	s3 =	simm.s32 $0x108;
	s8 =	sld [smem:$0x3FB2]  }
0x2e: {  	s3 =	simm.s32 @!p0 $0x1082;
	s9 =	sld [smem:$0x3FB3]  }
0x2f: {  	lr =	sadd.s32 s0, s3;
	s0 =	sld [smem:$0x3FAA]  }
0x30: {  	s3 =	sld [smem:$0x3FAD]  }
0x31: {  	[smem:$0x3FB6] =	sst s10  }
0x32: {  	s10 =	sld [smem:$0x3FB4];
	_ =	sdelay $0x3  }
0x33: {  	p0 =	seq.s32 s10, $0x1;
	s10 =	sld [smem:$0x3FB6];
	_ =	sdelay $0x3  }
0x34: {  	[smem:$0x3FB6] =	sst s10  }
0x35: {  	s10 =	sld [smem:$0x3FB5];
	_ =	sdelay $0x3  }
0x36: {  	p1 =	seq.s32 s10, $0x1;
	s10 =	sld [smem:$0x3FB6];
	_ =	sdelay $0x3  }
0x37: {  	[smem:$0x3FB6] =	sst s10  }
0x38: {  	s10 =	sld [smem:$0x3FB7]  }
0x39: {  	_ = 	snop;
	(pc) =	sbr.ind lr, $3  }
0x3a: {  	_ = 	snop  }
0x3b: {  	_ = 	snop  }
0x3c: {  	p2 =	seq.s32 s10, $0x1;
	s10 =	sld [smem:$0x3FB6]  }
0x3d: {  	_ =	shalt  }
0x3e: {  	_ =	shalt  }
0x3f: {  	_ =	shalt  }
0x40: {  	_ =	shalt  }
0x41: {  	_ =	shalt  }
0x42: {  	_ =	shalt  }
0x43: {  	_ =	shalt  }
0x44: {  	_ =	shalt  }
0x45: {  	_ =	shalt  }
0x46: {  	_ =	shalt  }
0x47: {  	_ =	shalt  }
0x48: {  	_ =	shalt  }
0x49: {  	_ =	shalt  }
0x4a: {  	_ =	shalt  }
0x4b: {  	_ =	shalt  }
0x4c: {  	_ =	shalt  }
0x4d: {  	_ =	shalt  }
0x4e: {  	_ =	shalt  }
0x4f: {  	_ =	shalt  }
0x50: {  	_ =	shalt  }
0x51: {  	_ =	shalt  }
0x52: {  	_ =	shalt  }
0x53: {  	_ =	shalt  }
0x54: {  	_ =	shalt  }
0x55: {  	_ =	shalt  }
0x56: {  	_ =	shalt  }
0x57: {  	_ =	shalt  }
0x58: {  	_ =	shalt  }
0x59: {  	_ =	shalt  }
0x5a: {  	_ =	shalt  }
0x5b: {  	_ =	shalt  }
0x5c: {  	_ =	shalt  }
0x5d: {  	_ =	shalt  }
0x5e: {  	_ =	shalt  }
0x5f: {  	_ =	shalt  }
0x60: {  	_ =	shalt  }
0x61: {  	_ =	shalt  }
0x62: {  	_ =	shalt  }
0x63: {  	_ =	shalt  }
0x64: {  	_ =	shalt  }
0x65: {  	_ =	shalt  }
0x66: {  	_ =	shalt  }
0x67: {  	_ =	shalt  }
0x68: {  	_ =	shalt  }
0x69: {  	_ =	shalt  }
0x6a: {  	_ =	shalt  }
0x6b: {  	_ =	shalt  }
0x6c: {  	_ =	shalt  }
0x6d: {  	_ =	shalt  }
0x6e: {  	_ =	shalt  }
0x6f: {  	_ =	shalt  }
0x70: {  	_ =	shalt  }
0x71: {  	_ =	shalt  }
0x72: {  	_ =	shalt  }
0x73: {  	_ =	shalt  }
0x74: {  	_ =	shalt  }
0x75: {  	_ =	shalt  }
0x76: {  	_ =	shalt  }
0x77: {  	_ =	shalt  }
0x78: {  	_ =	shalt  }
0x79: {  	_ =	shalt  }
0x7a: {  	_ =	shalt  }
0x7b: {  	_ =	shalt  }
0x7c: {  	_ =	shalt  }
0x7d: {  	_ =	shalt  }
0x7e: {  	_ =	shalt  }
0x7f: {  	_ =	shalt  }
0x80: {  	_ =	shalt  }
0x81: {  	_ =	shalt  }
0x82: {  	_ =	shalt  }
0x83: {  	_ =	shalt  }
0x84: {  	_ =	shalt  }
0x85: {  	_ =	shalt  }
0x86: {  	_ =	shalt  }
0x87: {  	_ =	shalt  }
.Lfunc_end0:
.L_simem_size_0:
called_computation.1_lowered:
.L_overlay_start_0:
0x88: {  	s2 =	sld [smem:$0x3FD9]  }
0x89: {  	s3 =	sld [smem:$0x3FFE];
	_ =	sdelay $0x1  }
0x8a: {  	s1 =	srdreg.scid  }
0x8b: {  	s0 =	sand.u32 $0x1, s1  }
0x8c: {  	s16 =	sshll.u32 s0, $0xA;
	s2 =	sadd.s32 s3, s2  }
0x8d: {  	s2 =	sadd.s32 s2, s16  }
0x8e: {  	[smem:$0x3FC2] =	sst s2  }
0x8f: {  	_ = 	snop  }
0x90: {  	(tm) =	ssettm $0x1  }
0x91: {  	s17 =	sld [smem:$0x3FFB];
	_ =	sdelay $0x3  }
0x92: {  	_ =	strace s17  }
0x93: {  	s2 =	sld [smem:$0x3FFC];
	_ =	sdelay $0x3  }
0x94: {  	_ =	strace s2  }
0x95: {  	s2 =	sld [smem:$0x3FFD];
	_ =	sdelay $0x3  }
0x96: {  	_ =	strace s2  }
0x97: {  	_ =	strace $0x8FFFFFFF  }
0x98: {  	s18 =	sld [smem:$0x3FDB];
	_ =	sdelay $0x1  }
0x99: {  	s19 =	simm.s32 $_scs_section_size  }
0x9a: {  	s4 =	simm.s32 $_size__tile_overlayer_lowered;
	s5 =	simm.s32 $_tile_overlayer_lowered  }
0x9b: {  	s22 =	simm.s32 $0x1BFF;
	s21 =	sshll.u32 s5, $0x1;
	s2 =	sadd.s32 s19, s18  }
0x9c: {  	s6 =	simm.s32 $0x0;
	s20 =	sshll.u32 s4, $0x1;
	s4 =	sadd.s32 s21, s2  }
0x9d: {  	[timem:s6], [sflag:s22] =	dma.local [hbm:s4], s20  }
0x9e: {  	_ =	swait.ge [sflag:s22], s20  }
0x9f: {  	s3 =	ssub.s32 $0x0, s20;
	[sflag:s22] =	ssyncset.done $0x0  }
0xa0: {  	[sflag:s22] =	ssyncadd.s32 s3;
	_ =	sdelay $0x1  }
0xa1: {  	s23 =	simm.s32 $0x1B8B  }
0xa2: {  	_ =	swait.ge [sflag:s23], $0x1  }
0xa3: {  	[sflag:s23] =	ssyncset.done $0x0  }
0xa4: {  	s25 =	simm.s32 $0x1B8E;
	s24 =	sld [smem:$0x3FFE];
	[sflag:s23] =	ssyncadd.s32 $0xFFFFFFFF  }
0xa5: {  	s26 =	simm.s32 $execute0_lowered;
	[smem:$0x3FD2] =	sst s25  }
0xa6: {  	s4 =	sshll.u32 s26, $0x1;
	_ =	strace $0x80000049;
	[dreg:$0x1] =	wrdreg $0xFFFFFFFF  }
0xa7: {  	s28 =	simm.s32 $_size_execute0_lowered;
	s2 =	sadd.s32 s2, s4;
	[dreg:$0x0] =	wrdreg $0x0  }
0xa8: {  	s4 =	sshll.u32 s28, $0x1;
	[dreg:$0x2] =	wrdreg s2  }
0xa9: {  	[dreg:$0x3] =	wrdreg s4  }
0xaa: {  	[dreg:$0x4] =	wrdreg $0xC0  }
0xab: {  	_ =	task [dreg:s6], $0x5FFFF  }
0xac: {  	[dreg:$0x1] =	wrdreg $0xFFFFFFFF  }
0xad: {  	[dreg:$0x0] =	wrdreg $0x60  }
0xae: {  	[dreg:$0x2] =	wrdreg s24  }
0xaf: {  	[dreg:$0x3] =	wrdreg $0x83000  }
0xb0: {  	[dreg:$0x4] =	wrdreg $0x9  }
0xb1: {  	_ =	task.clear_ibuf [dreg:s6], $0x5FFFF;
	_ =	strace $0x90000049  }
0xb2: {  	s29 =	simm.s32 $0x9;
	_ =	strace $0x8000004B  }
0xb3: {  	_ =	swait.ge [sflag:s29], $0x1  }
0xb4: {  	[sflag:s29] =	ssyncadd.s32 $0xFFFFFFFF  }
0xb5: {  	_ =	strace $0x9000004B  }
0xb6: {  	_ =	sfence  }
0xb7: {  	s30 =	sld [smem:$0x0];
	_ =	sdelay $0x2  }
0xb8: {  	s31 =	sshll.u32 s1, $0xD;
	s1 =	sshrl.u32 s1, $0x2  }
0xb9: {  	s3 =	sand.u32 $0x4000, s31;
	s1 =	sadd.s32 s1, s30  }
0xba: {  	s0 =	sor.u32 s3, s0;
	s1 =	sshll.u32 s1, $0x11  }
0xbb: {  	s0 =	sor.u32 s1, s0  }
0xbc: {  	s0 =	sadd.s32 $0x8F2B, s0  }
0xbd: {  	[sflag:s0] =	ssyncadd.remote.s32 $0x1  }
0xbe: {  	_ =	sfence.sel $0xFFFF  }
0xbf: {  	[dreg:$0x0] =	wrdreg $0xFFFFFFFF;
	(pc) =	sbr.abs _section_cstart, $3  }
0xc0: {  	[dreg:$0x1] =	wrdreg $0xFFFFFFFF  }
0xc1: {  	_ =	task.clear_ibuf [dreg:s6], $0x2FFFF;
	_ =	strace $0x9FFFFFFF  }
0xc2: {  	(tm) =	ssettm $0x7FFFFFFF  }
0xc3: {  	_ =	shalt  }
tec
execute0_lowered:
.L_overlay_start_1:
0x0: {  	(tag) =	ssettag $0x1  }
0x1: {  	s0 =	rddreg [dreg:$0x0]  }
0x2: {  	s2 =	rddreg [dreg:$0x1];
	s13 =	stileid.u32  }
0x3: {  	s1 =	srdreg.scid;
	s3 =	simm.s32 $0x0;
	s17 =	simm.s32 $0xB  }
0x4: {  	s19 =	simm.s32 $0x80;
	s21 =	simm.s32 $0x1;
	s6 =	smul.u32 $0x14000, s13  }
0x5: {  	s22 =	simm.s32 $0x3;
	s1 =	sand.u32 $0x1, s1;
	s11 =	smul.u32 $0x50000, s13  }
0x6: {  	[smem:$0x7FF] =	sst s3;
	s4 =	sadd.s32 $0x65C00, s0;
	s15 =	smul.u32 $0x2780, s13  }
0x7: {  	s5 =	sadd.s32 $0x2000, s0;
	s30 =	sshll.u32 s13, $0x6;
	s7 =	smul.u32 $0x140000, s1  }
0x8: {  	_ =	strace $0x8000004A;
	s9 =	ssub.s32 $0x2, s1;
	s10 =	sshll.u32 s1, $0x4  }
0x9: {  	s1 =	smul.u32 $0x27800, s1;
	s8 =	sshrl.u32 s6, $0x3;
	s25 =	sshrl.u32 s9, $0x1  }
0xa: {  	s10 =	sor.u32 s13, s10;
	s28 =	sshrl.u32 s11, $0x2;
	s7 =	sadd.s32 s6, s7  }
0xb: {  	s6 =	sadd.s32 $0xBE00, s0;
	s8 =	sadd.s32 s8, s0;
	s14 =	ssub.s32 s9, s25  }
0xc: {  	s26 =	smul.u32 $0x2780, s10;
	s16 =	sadd.s32 s28, s2;
	s31 =	sadd.s32 s15, s1  }
0xd: {  	s25 =	simm.s32 $0x9;
	s7 =	sshrl.u32 s7, $0x3;
	s29 =	sadd.s32 $0x8CE00, s8  }
.Ltmp0:
0xe: {  	s8 =	sor.u32 $0x1C0B, s30;
	s14 =	smax.u32 s14, $0x1;
	(pc) =	sbr.rel .LBB2_1-.Ltmp0, $4  }
0xf: {  	s15 =	sadd.s32 $0x100, s31;
	s16 =	sshrl.u32 s16, $0x3;
	s0 =	sadd.s32 s7, s0  }
0x10: {  	[dreg:$0x3] =	wrdreg s29;
	s10 =	sshrl.u32 s26, $0x3;
	s26 =	simm.s32 $0x0  }
0x11: {  	s9 =	sadd.s32 s5, s10;
	s12 =	sadd.s32 $0x10, s10;
	s10 =	sadd.s32 s6, s10  }
0x12: {  	s13 =	sadd.s32 $0xB4E00, s0;
	s11 =	sadd.s32 s5, s12;
	s12 =	sadd.s32 s6, s12  }
.LBB2_4:
0x13: {  	s7 =	simm.s32 $0x200  }
0x14: {  	[spmem:s2] =	stream.indirect.scatter.add.f32 [tilespmem:s0], [sflag:s1], $0x80, s7, s19, $0xb8;
	[tilespmem:$0x1C300] =	vst v63  }
0x15: {  	_ =	swait.ge [sflag:s25], $0x4000  }
0x16: {  	s26 =	sadd.s32 $0x1, s26;
	[sflag:s25] =	ssyncset.done $0x0  }
0x17: {  	p0 =	sne.s32 s26, s14;
	[sflag:s25] =	ssyncadd.s32 $0xFFFFC000  }
.Ltmp1:
0x18: {  	[bflag:$0x0] =	sbarrier.arrive $0xFFFF;
	(pc) =	sbr.rel @!p0 .LBB2_5-.Ltmp1, $4  }
0x19: {  	[hbm:s13], [sflag:s8] =	dma.local [spmem:s16], $0x2800  }
0x1a: {  	_ =	swait.ge [sflag:s17], $0x2800  }
0x1b: {  	[sflag:s17] =	ssyncset.done $0x0  }
0x1c: {  	[sflag:s17] =	ssyncadd.s32 $0xFFFFD800  }
.LBB2_1:
0x1d: {  	s0 =	rddreg [dreg:$0x3]  }
0x1e: {  	[spmem:s16], [sflag:s8] =	dma.local [hbm:s0], $0x2800  }
0x1f: {  	_ =	swait.ge [sflag:s17], $0x2800  }
0x20: {  	[sflag:s17] =	ssyncset.done $0x0  }
0x21: {  	[sflag:s17] =	ssyncadd.s32 $0xFFFFD800  }
0x22: {  	[tilespmem:s3], [sflag:$0x1] =	stream.linear.gather [hbm4b:s9+s3], $0x80, $0x38;
	[tilespmem:$0x1C300] =	vst v63  }
0x23: {  	s23 =	simm.s32 $0x100  }
0x24: {  	[tilespmem:s23], [sflag:$0x3] =	stream.linear.gather [hbm4b:s10+s3], $0x80, $0x38;
	[tilespmem:$0x1C300] =	vst v63  }
0x25: {  	_ = 	snop  }
0x26: {  	[tilespmem:s19], [sflag:$0x2] =	stream.linear.gather [hbm4b:s11+s3], $0x80, $0x38;
	[tilespmem:$0x1C300] =	vst v63  }
0x27: {  	s24 =	simm.s32 $0x180  }
0x28: {  	[tilespmem:s24], [sflag:$0x4] =	stream.linear.gather [hbm4b:s12+s3], $0x80, $0x38;
	[tilespmem:$0x1C300] =	vst v63  }
0x29: {  	_ =	swait.ge [sflag:s21], $0x80  }
0x2a: {  	[sflag:s21] =	ssyncset.done $0x0  }
0x2b: {  	[sflag:s21] =	ssyncadd.s32 $0xFFFFFF80  }
0x2c: {  	_ =	swait.ge [sflag:s22], $0x80  }
0x2d: {  	[sflag:s22] =	ssyncset.done $0x0  }
0x2e: {  	s31 =	simm.s32 $0x300;
	s28 =	simm.s32 $0x0;
	[sflag:s22] =	ssyncadd.s32 $0xFFFFFF80  }
0x2f: {  	[tilespmem:s31], [sflag:$0x7] =	stream.indirect.gather [hbm4b:s4+s19], $0x80, s3, s19, $0xb8;
	[tilespmem:$0x1C300] =	vst v63  }
0x30: {  	s30 =	simm.s32 $0x0;
	s29 =	smov.u32 s15;
	[bflag:$0x0] =	sbarrier.arrive $0xFFFF  }
.LBB2_2:
0x31: {  	s31 =	sand.u32 $0x1, s30;
	p0 =	seq.s32 s30, $0x0  }
0x32: {  	s0 =	sadd.s32 $0x7, s31;
	p1 =	seq.s32 @!p0 s30, $0x4E  }
0x33: {  	_ =	swait.ge [sflag:s0], $0x4000;
	p1 =	por p0, !p1  }
.Ltmp2:
0x34: {  	s1 =	sxor.u32 @!p0 $0x1, s31;
	[sflag:s0] =	ssyncset.done $0x0;
	(pc) =	sbr.rel @!p1 .LBB2_4-.Ltmp2, $4  }
0x35: {  	s1 =	sadd.s32 @!p0 $0x9, s1;
	[sflag:s0] =	ssyncadd.s32 $0xFFFFC000  }
0x36: {  	_ =	swait.ge @!p0 [sflag:s1], $0x4000  }
0x37: {  	s24 =	sshll.u32 s31, $0xE;
	[sflag:s1] =	ssyncset.done @!p0 $0x0  }
0x38: {  	s0 =	sor.u32 $0x300, s24;
	[sflag:s1] =	ssyncadd.s32 @!p0 $0xFFFFC000;
	s1 =	sadd.s32 $0x9, s31  }
0x39: {  	s18 =	sadd.s32 $0x1, s30  }
0x3a: {  	s20 =	sand.u32 $0x1, s18  }
0x3b: {  	s23 =	sadd.s32 $0x1, s20  }
0x3c: {  	_ =	swait.ge [sflag:s23], $0x80  }
0x3d: {  	s24 =	sand.u32 $0x3, s18;
	[sflag:s23] =	ssyncset.done $0x0  }
0x3e: {  	[sflag:s23] =	ssyncadd.s32 $0xFFFFFF80;
	s23 =	sadd.s32 $0x3, s24  }
0x3f: {  	s7 =	sshll.u32 s20, $0xE;
	_ =	swait.ge [sflag:s23], $0x80  }
0x40: {  	s7 =	sor.u32 $0x300, s7;
	[sflag:s23] =	ssyncset.done $0x0  }
0x41: {  	s24 =	sshll.u32 s20, $0x7;
	s20 =	sadd.s32 $0x7, s20;
	[sflag:s23] =	ssyncadd.s32 $0xFFFFFF80  }
0x42: {  	[tilespmem:s7], [sflag:s20] =	stream.indirect.gather [hbm4b:s4+s19], $0x80, s24, s19, $0xb8;
	[tilespmem:$0x1C300] =	vst v63  }
0x43: {  	p0 =	sgt.u32 s30, $0x4C;
	s24 =	sand.u32 $0x600, s28  }
0x44: {  	s20 =	sadd.s32 @!p0 $0x1, s31;
	s7 =	sshrl.u32 s24, $0x2  }
0x45: {  	s28 =	sadd.s32 $0x200, s28;
	s24 =	simm.s32 @!p0 $0x0;
	s7 =	sadd.s32 $0x100, s7  }
0x46: {  	[spmem:s2] =	stream.indirect.scatter.add.f32 [tilespmem:s0], [sflag:s1], $0x80, s7, s19, $0xb8;
	[tilespmem:$0x1C300] =	vst v63  }
0x47: {  	s0 =	sadd.s32 @!p0 $0x2, s30;
	s1 =	sshll.u32 @!p0 s31, $0x7;
	s7 =	sshrl.u32 @!p0 s29, $0x3  }
.Ltmp3:
0x48: {  	s23 =	sadd.s32 @!p0 s5, s7;
	s0 =	sand.u32 @!p0 $0x3, s0;
	(pc) =	sbr.rel .LBB2_2-.Ltmp3, $4  }
0x49: {  	[tilespmem:s1], [sflag:s20] =	stream.linear.gather @!p0 [hbm4b:s23+s24], $0x80, $0x38;
	[tilespmem:$0x1C300] =	vst v63  }
0x4a: {  	s29 =	sadd.s32 $0x80, s29;
	s30 =	smov.u32 s18;
	s1 =	sshll.u32 @!p0 s0, $0x7  }
0x4b: {  	s7 =	sadd.s32 @!p0 s6, s7;
	s0 =	sadd.s32 @!p0 $0x3, s0;
	s1 =	sadd.s32 @!p0 $0x100, s1  }
0x4c: {  	[tilespmem:s1], [sflag:s0] =	stream.linear.gather @!p0 [hbm4b:s7+s24], $0x80, $0x38;
	[tilespmem:$0x1C300] =	vst v63  }
.LBB2_5:
0x4d: {  	_ =	sfence.sel $0x180000  }
0x4e: {  	[bflag:$0x0] =	sbarrier.arrive $0xFFFF  }
0x4f: {  	_ =	strace $0x9000004A  }
0x50: {  	s0 =	stileid.u32;
	[bflag:$0x2] =	sbarrier.arrive $0xFFFF  }
0x51: {  	p0 =	sne.s32 s0, $0x0;
	s0 =	rddreg [dreg:$0x2]  }
0x52: {  	s0 =	sadd.s32 @!p0 $0x100000, s0  }
0x53: {  	[sflag:s0] =	ssyncadd.tile.s32 @!p0 $0x1;
	_ =	shalt  }
.Lfunc_end2:
_tile_overlayer_lowered:
.L_overlay_start_2:
0x54: {  	(tag) =	ssettag $0x2  }
0x55: {  	s0 =	rddreg [dreg:$0x0];
	s2 =	stileid.u32  }
0x56: {  	s1 =	rddreg [dreg:$0x1];
	p0 =	sne.s32 s2, $0x0  }
0x57: {  	s3 =	rddreg [dreg:$0x2];
	[bflag:$0x3] =	sbarrier.arrive $0xFFFF;
	s2 =	simm.s32 @!p0 $0x1C0B  }
0x58: {  	[timem:s3], [sflag:s2] =	dma.local @!p0 [hbm:s0], s1  }
0x59: {  	s0 =	simm.s32 @!p0 $0xB  }
0x5a: {  	_ =	swait.ge @!p0 [sflag:s0], s1  }
0x5b: {  	s1 =	ssub.s32 @!p0 $0x0, s1;
	[sflag:s0] =	ssyncset.done @!p0 $0x0  }
0x5c: {  	[sflag:s0] =	ssyncadd.s32 @!p0 s1  }
0x5d: {  	[bflag:$0x3] =	sbarrier.arrive $0xFFFF  }
0x5e: {  	_ =	shalt  }

// kernel: kernel.14.cloned.1.call-start
scs
__scs_entry_jumppad:
0x0: {  	(pc) =	sbr.rel $0x88, $3  }
0x1: {  	(tag) =	ssettag $0x0;
	lr =	simm.s32 $0x1  }
0x2: {  	[smem:$0x3F9B] =	sst lr;
	_ =	strace $0xD0000000  }
0x3: {  	_ = 	snop  }
0x4: {  	_ = 	snop  }
0x5: {  	_ = 	snop  }
0x6: {  	_ = 	snop  }
0x7: {  	_ = 	snop  }
__scs_overlays_trampoline_lowered:
0x8: {  	[smem:$0x3FAA] =	sst s0  }
0x9: {  	[smem:$0x3FAB] =	sst s1  }
0xa: {  	[smem:$0x3FAC] =	sst s2  }
0xb: {  	[smem:$0x3FAD] =	sst s3  }
0xc: {  	[smem:$0x3FAE] =	sst s4  }
0xd: {  	[smem:$0x3FAF] =	sst s5  }
0xe: {  	[smem:$0x3FB0] =	sst s6  }
0xf: {  	[smem:$0x3FB1] =	sst s7  }
0x10: {  	[smem:$0x3FB2] =	sst s8  }
0x11: {  	[smem:$0x3FB3] =	sst s9;
	s0 =	simm.s32 @!p0 $0x0  }
0x12: {  	s1 =	sld [smem:$0x3F99];
	s0 =	simm.s32 @p0 $0x1  }
0x13: {  	[smem:$0x3FB4] =	sst s0;
	s0 =	simm.s32 @!p1 $0x0  }
0x14: {  	s2 =	sld [smem:$0x3F98];
	s0 =	simm.s32 @p1 $0x1  }
0x15: {  	[smem:$0x3FB5] =	sst s0;
	s0 =	simm.s32 @!p2 $0x0  }
0x16: {  	s3 =	sld [smem:$0x3FDB];
	s0 =	simm.s32 @p2 $0x1  }
0x17: {  	s4 =	simm.s32 $0x1BF5;
	[smem:$0x3FB7] =	sst s0  }
0x18: {  	s0 =	sld [smem:$0x3F9A];
	_ =	swait.ge [sflag:s4], $0x0  }
0x19: {  	s7 =	sld [smem:$0x3F9B]  }
0x1a: {  	s8 =	sadd.s32 $0xFFFFE003, lr  }
0x1b: {  	s9 =	sadd.s32 $0xFFFFFEF7, lr;
	s5 =	simm.s32 $0xFFFFFFFF;
	p2 =	slt.u32 s8, $0xFFFFF086  }
0x1c: {  	p1 =	slt.u32 s9, $0xF7A;
	s5 =	simm.s32 @!p2 $0x0  }
0x1d: {  	s5 =	simm.s32 @p1 $0x1;
	p0 =	seq.s32 s7, s2  }
0x1e: {  	s7 =	smul.u32 @!p0 $0xF7A, s2;
	p2 =	seq.s32 @!p0 s5, $0x0  }
0x1f: {  	s9 =	smul.u32 $0xF7A, s1;
	s8 =	simm.s32 @!p0 $0x1BF5;
	p2 =	por !p2, p0  }
0x20: {  	[sflag:s8] =	ssyncset.s32 @!p0 $0xFFFFF086;
	s6 =	sadd.s32 @!p0 s3, s7;
	s7 =	simm.s32 @!p0 $0x108  }
0x21: {  	s3 =	sadd.s32 s3, s9;
	s6 =	sadd.s32 @!p0 $0x88, s6;
	s7 =	simm.s32 @p2 $0x1082  }
0x22: {  	[simem:s7], [sflag:s8] =	dma.local @!p0 [hbm:s6], $0xF7A  }
0x23: {  	s9 =	sor.u32 $0xD0000000, s2;
	s6 =	simm.s32 $0x108;
	_ =	swait.ge @!p0 [sflag:s8], $0x0  }
0x24: {  	s3 =	sadd.s32 $0x88, s3;
	s6 =	simm.s32 @!p1 $0x1082;
	[sflag:s4] =	ssyncset.s32 $0xFFFFF086  }
0x25: {  	[simem:s6], [sflag:s4] =	dma.local [hbm:s3], $0xF7A  }
0x26: {  	[smem:$0x3F9B] =	sst s1;
	(tag) =	ssettag s2;
	_ =	strace s9  }
0x27: {  	s1 =	sld [smem:$0x3FAB]  }
0x28: {  	s2 =	sld [smem:$0x3FAC]  }
0x29: {  	s4 =	sld [smem:$0x3FAE]  }
0x2a: {  	p0 =	seq.s32 s5, $0x0;
	s5 =	sld [smem:$0x3FAF]  }
0x2b: {  	s6 =	sld [smem:$0x3FB0]  }
0x2c: {  	s7 =	sld [smem:$0x3FB1]  }
0x2d: {  	s3 =	simm.s32 $0x108;
	s8 =	sld [smem:$0x3FB2]  }
0x2e: {  	s3 =	simm.s32 @!p0 $0x1082;
	s9 =	sld [smem:$0x3FB3]  }
0x2f: {  	lr =	sadd.s32 s0, s3;
	s0 =	sld [smem:$0x3FAA]  }
0x30: {  	s3 =	sld [smem:$0x3FAD]  }
0x31: {  	[smem:$0x3FB6] =	sst s10  }
0x32: {  	s10 =	sld [smem:$0x3FB4];
	_ =	sdelay $0x3  }
0x33: {  	p0 =	seq.s32 s10, $0x1;
	s10 =	sld [smem:$0x3FB6];
	_ =	sdelay $0x3  }
0x34: {  	[smem:$0x3FB6] =	sst s10  }
0x35: {  	s10 =	sld [smem:$0x3FB5];
	_ =	sdelay $0x3  }
0x36: {  	p1 =	seq.s32 s10, $0x1;
	s10 =	sld [smem:$0x3FB6];
	_ =	sdelay $0x3  }
0x37: {  	[smem:$0x3FB6] =	sst s10  }
0x38: {  	s10 =	sld [smem:$0x3FB7]  }
0x39: {  	_ = 	snop;
	(pc) =	sbr.ind lr, $3  }
0x3a: {  	_ = 	snop  }
0x3b: {  	_ = 	snop  }
0x3c: {  	p2 =	seq.s32 s10, $0x1;
	s10 =	sld [smem:$0x3FB6]  }
0x3d: {  	_ =	shalt  }
0x3e: {  	_ =	shalt  }
0x3f: {  	_ =	shalt  }
0x40: {  	_ =	shalt  }
0x41: {  	_ =	shalt  }
0x42: {  	_ =	shalt  }
0x43: {  	_ =	shalt  }
0x44: {  	_ =	shalt  }
0x45: {  	_ =	shalt  }
0x46: {  	_ =	shalt  }
0x47: {  	_ =	shalt  }
0x48: {  	_ =	shalt  }
0x49: {  	_ =	shalt  }
0x4a: {  	_ =	shalt  }
0x4b: {  	_ =	shalt  }
0x4c: {  	_ =	shalt  }
0x4d: {  	_ =	shalt  }
0x4e: {  	_ =	shalt  }
0x4f: {  	_ =	shalt  }
0x50: {  	_ =	shalt  }
0x51: {  	_ =	shalt  }
0x52: {  	_ =	shalt  }
0x53: {  	_ =	shalt  }
0x54: {  	_ =	shalt  }
0x55: {  	_ =	shalt  }
0x56: {  	_ =	shalt  }
0x57: {  	_ =	shalt  }
0x58: {  	_ =	shalt  }
0x59: {  	_ =	shalt  }
0x5a: {  	_ =	shalt  }
0x5b: {  	_ =	shalt  }
0x5c: {  	_ =	shalt  }
0x5d: {  	_ =	shalt  }
0x5e: {  	_ =	shalt  }
0x5f: {  	_ =	shalt  }
0x60: {  	_ =	shalt  }
0x61: {  	_ =	shalt  }
0x62: {  	_ =	shalt  }
0x63: {  	_ =	shalt  }
0x64: {  	_ =	shalt  }
0x65: {  	_ =	shalt  }
0x66: {  	_ =	shalt  }
0x67: {  	_ =	shalt  }
0x68: {  	_ =	shalt  }
0x69: {  	_ =	shalt  }
0x6a: {  	_ =	shalt  }
0x6b: {  	_ =	shalt  }
0x6c: {  	_ =	shalt  }
0x6d: {  	_ =	shalt  }
0x6e: {  	_ =	shalt  }
0x6f: {  	_ =	shalt  }
0x70: {  	_ =	shalt  }
0x71: {  	_ =	shalt  }
0x72: {  	_ =	shalt  }
0x73: {  	_ =	shalt  }
0x74: {  	_ =	shalt  }
0x75: {  	_ =	shalt  }
0x76: {  	_ =	shalt  }
0x77: {  	_ =	shalt  }
0x78: {  	_ =	shalt  }
0x79: {  	_ =	shalt  }
0x7a: {  	_ =	shalt  }
0x7b: {  	_ =	shalt  }
0x7c: {  	_ =	shalt  }
0x7d: {  	_ =	shalt  }
0x7e: {  	_ =	shalt  }
0x7f: {  	_ =	shalt  }
0x80: {  	_ =	shalt  }
0x81: {  	_ =	shalt  }
0x82: {  	_ =	shalt  }
0x83: {  	_ =	shalt  }
0x84: {  	_ =	shalt  }
0x85: {  	_ =	shalt  }
0x86: {  	_ =	shalt  }
0x87: {  	_ =	shalt  }
.Lfunc_end0:
.L_simem_size_0:
called_computation.2_lowered:
.L_overlay_start_0:
0x88: {  	s2 =	sld [smem:$0x3FD9]  }
0x89: {  	s3 =	sld [smem:$0x3FFE];
	_ =	sdelay $0x1  }
0x8a: {  	s1 =	srdreg.scid  }
0x8b: {  	s0 =	sand.u32 $0x1, s1  }
0x8c: {  	s16 =	sshll.u32 s0, $0xA;
	s2 =	sadd.s32 s3, s2  }
0x8d: {  	s2 =	sadd.s32 s2, s16  }
0x8e: {  	[smem:$0x3FC2] =	sst s2  }
0x8f: {  	_ = 	snop  }
0x90: {  	(tm) =	ssettm $0x1  }
0x91: {  	s17 =	sld [smem:$0x3FFB];
	_ =	sdelay $0x3  }
0x92: {  	_ =	strace s17  }
0x93: {  	s2 =	sld [smem:$0x3FFC];
	_ =	sdelay $0x3  }
0x94: {  	_ =	strace s2  }
0x95: {  	s2 =	sld [smem:$0x3FFD];
	_ =	sdelay $0x3  }
0x96: {  	_ =	strace s2  }
0x97: {  	_ =	strace $0x8FFFFFFF  }
0x98: {  	s18 =	sld [smem:$0x3FDB];
	_ =	sdelay $0x1  }
0x99: {  	s19 =	simm.s32 $_scs_section_size  }
0x9a: {  	s4 =	simm.s32 $_size__tile_overlayer_lowered;
	s5 =	simm.s32 $_tile_overlayer_lowered  }
0x9b: {  	s22 =	simm.s32 $0x1BFF;
	s21 =	sshll.u32 s5, $0x1;
	s2 =	sadd.s32 s19, s18  }
0x9c: {  	s6 =	simm.s32 $0x0;
	s20 =	sshll.u32 s4, $0x1;
	s4 =	sadd.s32 s21, s2  }
0x9d: {  	[timem:s6], [sflag:s22] =	dma.local [hbm:s4], s20  }
0x9e: {  	_ =	swait.ge [sflag:s22], s20  }
0x9f: {  	s3 =	ssub.s32 $0x0, s20;
	[sflag:s22] =	ssyncset.done $0x0  }
0xa0: {  	[sflag:s22] =	ssyncadd.s32 s3;
	_ =	sdelay $0x1  }
0xa1: {  	s23 =	simm.s32 $0x1B8B  }
0xa2: {  	_ =	swait.ge [sflag:s23], $0x1  }
0xa3: {  	[sflag:s23] =	ssyncset.done $0x0  }
0xa4: {  	s25 =	simm.s32 $0x1B8E;
	s24 =	sld [smem:$0x3FFE];
	[sflag:s23] =	ssyncadd.s32 $0xFFFFFFFF  }
0xa5: {  	s26 =	simm.s32 $execute0_lowered;
	[smem:$0x3FD2] =	sst s25  }
0xa6: {  	s4 =	sshll.u32 s26, $0x1;
	_ =	strace $0x8000004C;
	[dreg:$0x1] =	wrdreg $0xFFFFFFFF  }
0xa7: {  	s28 =	simm.s32 $_size_execute0_lowered;
	s2 =	sadd.s32 s2, s4;
	[dreg:$0x0] =	wrdreg $0x0  }
0xa8: {  	s4 =	sshll.u32 s28, $0x1;
	[dreg:$0x2] =	wrdreg s2  }
0xa9: {  	[dreg:$0x3] =	wrdreg s4  }
0xaa: {  	[dreg:$0x4] =	wrdreg $0xC0  }
0xab: {  	_ =	task [dreg:s6], $0x5FFFF  }
0xac: {  	[dreg:$0x1] =	wrdreg $0xFFFFFFFF  }
0xad: {  	[dreg:$0x0] =	wrdreg $0x60  }
0xae: {  	[dreg:$0x2] =	wrdreg s24  }
0xaf: {  	[dreg:$0x3] =	wrdreg $0x83000  }
0xb0: {  	[dreg:$0x4] =	wrdreg $0x9  }
0xb1: {  	_ =	task.clear_ibuf [dreg:s6], $0x5FFFF;
	_ =	strace $0x9000004C  }
0xb2: {  	s29 =	simm.s32 $0x9;
	_ =	strace $0x8000004E  }
0xb3: {  	_ =	swait.ge [sflag:s29], $0x1  }
0xb4: {  	[sflag:s29] =	ssyncadd.s32 $0xFFFFFFFF  }
0xb5: {  	_ =	strace $0x9000004E  }
0xb6: {  	_ =	sfence  }
0xb7: {  	s30 =	sld [smem:$0x0];
	_ =	sdelay $0x2  }
0xb8: {  	s31 =	sshll.u32 s1, $0xD;
	s1 =	sshrl.u32 s1, $0x2  }
0xb9: {  	s3 =	sand.u32 $0x4000, s31;
	s1 =	sadd.s32 s1, s30  }
0xba: {  	s0 =	sor.u32 s3, s0;
	s1 =	sshll.u32 s1, $0x11  }
0xbb: {  	s0 =	sor.u32 s1, s0  }
0xbc: {  	s0 =	sadd.s32 $0x8F2B, s0  }
0xbd: {  	[sflag:s0] =	ssyncadd.remote.s32 $0x1  }
0xbe: {  	_ =	sfence.sel $0xFFFF  }
0xbf: {  	[dreg:$0x0] =	wrdreg $0xFFFFFFFF;
	(pc) =	sbr.abs _section_cstart, $3  }
0xc0: {  	[dreg:$0x1] =	wrdreg $0xFFFFFFFF  }
0xc1: {  	_ =	task.clear_ibuf [dreg:s6], $0x2FFFF;
	_ =	strace $0x9FFFFFFF  }
0xc2: {  	(tm) =	ssettm $0x7FFFFFFF  }
0xc3: {  	_ =	shalt  }
tec
execute0_lowered:
.L_overlay_start_1:
0x0: {  	(tag) =	ssettag $0x1  }
0x1: {  	s0 =	rddreg [dreg:$0x0]  }
0x2: {  	s2 =	rddreg [dreg:$0x1];
	s13 =	stileid.u32  }
0x3: {  	s1 =	srdreg.scid;
	s3 =	simm.s32 $0x0;
	s17 =	simm.s32 $0xB  }
0x4: {  	s19 =	simm.s32 $0x80;
	s21 =	simm.s32 $0x1;
	s6 =	smul.u32 $0x14000, s13  }
0x5: {  	s22 =	simm.s32 $0x3;
	s1 =	sand.u32 $0x1, s1;
	s11 =	smul.u32 $0x50000, s13  }
0x6: {  	[smem:$0x7FF] =	sst s3;
	s4 =	sadd.s32 $0x65C00, s0;
	s15 =	smul.u32 $0x2780, s13  }
0x7: {  	s5 =	sadd.s32 $0x2000, s0;
	s30 =	sshll.u32 s13, $0x6;
	s7 =	smul.u32 $0x140000, s1  }
0x8: {  	_ =	strace $0x8000004D;
	s9 =	ssub.s32 $0x2, s1;
	s10 =	sshll.u32 s1, $0x4  }
0x9: {  	s1 =	smul.u32 $0x27800, s1;
	s8 =	sshrl.u32 s6, $0x3;
	s25 =	sshrl.u32 s9, $0x1  }
0xa: {  	s10 =	sor.u32 s13, s10;
	s28 =	sshrl.u32 s11, $0x2;
	s7 =	sadd.s32 s6, s7  }
0xb: {  	s6 =	sadd.s32 $0xBE00, s0;
	s8 =	sadd.s32 s8, s0;
	s14 =	ssub.s32 s9, s25  }
0xc: {  	s26 =	smul.u32 $0x2780, s10;
	s16 =	sadd.s32 s28, s2;
	s31 =	sadd.s32 s15, s1  }
0xd: {  	s25 =	simm.s32 $0x9;
	s7 =	sshrl.u32 s7, $0x3;
	s29 =	sadd.s32 $0x8CE00, s8  }
.Ltmp0:
0xe: {  	s8 =	sor.u32 $0x1C0B, s30;
	s14 =	smax.u32 s14, $0x1;
	(pc) =	sbr.rel .LBB2_1-.Ltmp0, $4  }
0xf: {  	s15 =	sadd.s32 $0x100, s31;
	s16 =	sshrl.u32 s16, $0x3;
	s0 =	sadd.s32 s7, s0  }
0x10: {  	[dreg:$0x3] =	wrdreg s29;
	s10 =	sshrl.u32 s26, $0x3;
	s26 =	simm.s32 $0x0  }
0x11: {  	s9 =	sadd.s32 s5, s10;
	s12 =	sadd.s32 $0x10, s10;
	s10 =	sadd.s32 s6, s10  }
0x12: {  	s13 =	sadd.s32 $0xB4E00, s0;
	s11 =	sadd.s32 s5, s12;
	s12 =	sadd.s32 s6, s12  }
.LBB2_4:
0x13: {  	s7 =	simm.s32 $0x200  }
0x14: {  	[spmem:s2] =	stream.indirect.scatter.add.f32 [tilespmem:s0], [sflag:s1], $0x80, s7, s19, $0xb8;
	[tilespmem:$0x1C300] =	vst v63  }
0x15: {  	_ =	swait.ge [sflag:s25], $0x4000  }
0x16: {  	s26 =	sadd.s32 $0x1, s26;
	[sflag:s25] =	ssyncset.done $0x0  }
0x17: {  	p0 =	sne.s32 s26, s14;
	[sflag:s25] =	ssyncadd.s32 $0xFFFFC000  }
.Ltmp1:
0x18: {  	[bflag:$0x0] =	sbarrier.arrive $0xFFFF;
	(pc) =	sbr.rel @!p0 .LBB2_5-.Ltmp1, $4  }
0x19: {  	[hbm:s13], [sflag:s8] =	dma.local [spmem:s16], $0x2800  }
0x1a: {  	_ =	swait.ge [sflag:s17], $0x2800  }
0x1b: {  	[sflag:s17] =	ssyncset.done $0x0  }
0x1c: {  	[sflag:s17] =	ssyncadd.s32 $0xFFFFD800  }
.LBB2_1:
0x1d: {  	s0 =	rddreg [dreg:$0x3]  }
0x1e: {  	[spmem:s16], [sflag:s8] =	dma.local [hbm:s0], $0x2800  }
0x1f: {  	_ =	swait.ge [sflag:s17], $0x2800  }
0x20: {  	[sflag:s17] =	ssyncset.done $0x0  }
0x21: {  	[sflag:s17] =	ssyncadd.s32 $0xFFFFD800  }
0x22: {  	[tilespmem:s3], [sflag:$0x1] =	stream.linear.gather [hbm4b:s9+s3], $0x80, $0x38;
	[tilespmem:$0x1C300] =	vst v63  }
0x23: {  	s23 =	simm.s32 $0x100  }
0x24: {  	[tilespmem:s23], [sflag:$0x3] =	stream.linear.gather [hbm4b:s10+s3], $0x80, $0x38;
	[tilespmem:$0x1C300] =	vst v63  }
0x25: {  	_ = 	snop  }
0x26: {  	[tilespmem:s19], [sflag:$0x2] =	stream.linear.gather [hbm4b:s11+s3], $0x80, $0x38;
	[tilespmem:$0x1C300] =	vst v63  }
0x27: {  	s24 =	simm.s32 $0x180  }
0x28: {  	[tilespmem:s24], [sflag:$0x4] =	stream.linear.gather [hbm4b:s12+s3], $0x80, $0x38;
	[tilespmem:$0x1C300] =	vst v63  }
0x29: {  	_ =	swait.ge [sflag:s21], $0x80  }
0x2a: {  	[sflag:s21] =	ssyncset.done $0x0  }
0x2b: {  	[sflag:s21] =	ssyncadd.s32 $0xFFFFFF80  }
0x2c: {  	_ =	swait.ge [sflag:s22], $0x80  }
0x2d: {  	[sflag:s22] =	ssyncset.done $0x0  }
0x2e: {  	s31 =	simm.s32 $0x300;
	s28 =	simm.s32 $0x0;
	[sflag:s22] =	ssyncadd.s32 $0xFFFFFF80  }
0x2f: {  	[tilespmem:s31], [sflag:$0x7] =	stream.indirect.gather [hbm4b:s4+s19], $0x80, s3, s19, $0xb8;
	[tilespmem:$0x1C300] =	vst v63  }
0x30: {  	s30 =	simm.s32 $0x0;
	s29 =	smov.u32 s15;
	[bflag:$0x0] =	sbarrier.arrive $0xFFFF  }
.LBB2_2:
0x31: {  	s31 =	sand.u32 $0x1, s30;
	p0 =	seq.s32 s30, $0x0  }
0x32: {  	s0 =	sadd.s32 $0x7, s31;
	p1 =	seq.s32 @!p0 s30, $0x4E  }
0x33: {  	_ =	swait.ge [sflag:s0], $0x4000;
	p1 =	por p0, !p1  }
.Ltmp2:
0x34: {  	s1 =	sxor.u32 @!p0 $0x1, s31;
	[sflag:s0] =	ssyncset.done $0x0;
	(pc) =	sbr.rel @!p1 .LBB2_4-.Ltmp2, $4  }
0x35: {  	s1 =	sadd.s32 @!p0 $0x9, s1;
	[sflag:s0] =	ssyncadd.s32 $0xFFFFC000  }
0x36: {  	_ =	swait.ge @!p0 [sflag:s1], $0x4000  }
0x37: {  	s24 =	sshll.u32 s31, $0xE;
	[sflag:s1] =	ssyncset.done @!p0 $0x0  }
0x38: {  	s0 =	sor.u32 $0x300, s24;
	[sflag:s1] =	ssyncadd.s32 @!p0 $0xFFFFC000;
	s1 =	sadd.s32 $0x9, s31  }
0x39: {  	s18 =	sadd.s32 $0x1, s30  }
0x3a: {  	s20 =	sand.u32 $0x1, s18  }
0x3b: {  	s23 =	sadd.s32 $0x1, s20  }
0x3c: {  	_ =	swait.ge [sflag:s23], $0x80  }
0x3d: {  	s24 =	sand.u32 $0x3, s18;
	[sflag:s23] =	ssyncset.done $0x0  }
0x3e: {  	[sflag:s23] =	ssyncadd.s32 $0xFFFFFF80;
	s23 =	sadd.s32 $0x3, s24  }
0x3f: {  	s7 =	sshll.u32 s20, $0xE;
	_ =	swait.ge [sflag:s23], $0x80  }
0x40: {  	s7 =	sor.u32 $0x300, s7;
	[sflag:s23] =	ssyncset.done $0x0  }
0x41: {  	s24 =	sshll.u32 s20, $0x7;
	s20 =	sadd.s32 $0x7, s20;
	[sflag:s23] =	ssyncadd.s32 $0xFFFFFF80  }
0x42: {  	[tilespmem:s7], [sflag:s20] =	stream.indirect.gather [hbm4b:s4+s19], $0x80, s24, s19, $0xb8;
	[tilespmem:$0x1C300] =	vst v63  }
0x43: {  	p0 =	sgt.u32 s30, $0x4C;
	s24 =	sand.u32 $0x600, s28  }
0x44: {  	s20 =	sadd.s32 @!p0 $0x1, s31;
	s7 =	sshrl.u32 s24, $0x2  }
0x45: {  	s28 =	sadd.s32 $0x200, s28;
	s24 =	simm.s32 @!p0 $0x0;
	s7 =	sadd.s32 $0x100, s7  }
0x46: {  	[spmem:s2] =	stream.indirect.scatter.add.f32 [tilespmem:s0], [sflag:s1], $0x80, s7, s19, $0xb8;
	[tilespmem:$0x1C300] =	vst v63  }
0x47: {  	s0 =	sadd.s32 @!p0 $0x2, s30;
	s1 =	sshll.u32 @!p0 s31, $0x7;
	s7 =	sshrl.u32 @!p0 s29, $0x3  }
.Ltmp3:
0x48: {  	s23 =	sadd.s32 @!p0 s5, s7;
	s0 =	sand.u32 @!p0 $0x3, s0;
	(pc) =	sbr.rel .LBB2_2-.Ltmp3, $4  }
0x49: {  	[tilespmem:s1], [sflag:s20] =	stream.linear.gather @!p0 [hbm4b:s23+s24], $0x80, $0x38;
	[tilespmem:$0x1C300] =	vst v63  }
0x4a: {  	s29 =	sadd.s32 $0x80, s29;
	s30 =	smov.u32 s18;
	s1 =	sshll.u32 @!p0 s0, $0x7  }
0x4b: {  	s7 =	sadd.s32 @!p0 s6, s7;
	s0 =	sadd.s32 @!p0 $0x3, s0;
	s1 =	sadd.s32 @!p0 $0x100, s1  }
0x4c: {  	[tilespmem:s1], [sflag:s0] =	stream.linear.gather @!p0 [hbm4b:s7+s24], $0x80, $0x38;
	[tilespmem:$0x1C300] =	vst v63  }
.LBB2_5:
0x4d: {  	_ =	sfence.sel $0x180000  }
0x4e: {  	[bflag:$0x0] =	sbarrier.arrive $0xFFFF  }
0x4f: {  	_ =	strace $0x9000004D  }
0x50: {  	s0 =	stileid.u32;
	[bflag:$0x2] =	sbarrier.arrive $0xFFFF  }
0x51: {  	p0 =	sne.s32 s0, $0x0;
	s0 =	rddreg [dreg:$0x2]  }
0x52: {  	s0 =	sadd.s32 @!p0 $0x100000, s0  }
0x53: {  	[sflag:s0] =	ssyncadd.tile.s32 @!p0 $0x1;
	_ =	shalt  }
.Lfunc_end2:
_tile_overlayer_lowered:
.L_overlay_start_2:
0x54: {  	(tag) =	ssettag $0x2  }
0x55: {  	s0 =	rddreg [dreg:$0x0];
	s2 =	stileid.u32  }
0x56: {  	s1 =	rddreg [dreg:$0x1];
	p0 =	sne.s32 s2, $0x0  }
0x57: {  	s3 =	rddreg [dreg:$0x2];
	[bflag:$0x3] =	sbarrier.arrive $0xFFFF;
	s2 =	simm.s32 @!p0 $0x1C0B  }
0x58: {  	[timem:s3], [sflag:s2] =	dma.local @!p0 [hbm:s0], s1  }
0x59: {  	s0 =	simm.s32 @!p0 $0xB  }
0x5a: {  	_ =	swait.ge @!p0 [sflag:s0], s1  }
0x5b: {  	s1 =	ssub.s32 @!p0 $0x0, s1;
	[sflag:s0] =	ssyncset.done @!p0 $0x0  }
0x5c: {  	[sflag:s0] =	ssyncadd.s32 @!p0 s1  }
0x5d: {  	[bflag:$0x3] =	sbarrier.arrive $0xFFFF  }
0x5e: {  	_ =	shalt  }

// kernel: kernel.8.cloned.1.call-start
scs
__scs_entry_jumppad:
0x0: {  	(pc) =	sbr.rel $0x88, $3  }
0x1: {  	(tag) =	ssettag $0x0;
	lr =	simm.s32 $0x1  }
0x2: {  	[smem:$0x3F9B] =	sst lr;
	_ =	strace $0xD0000000  }
0x3: {  	_ = 	snop  }
0x4: {  	_ = 	snop  }
0x5: {  	_ = 	snop  }
0x6: {  	_ = 	snop  }
0x7: {  	_ = 	snop  }
__scs_overlays_trampoline_lowered:
0x8: {  	[smem:$0x3FAA] =	sst s0  }
0x9: {  	[smem:$0x3FAB] =	sst s1  }
0xa: {  	[smem:$0x3FAC] =	sst s2  }
0xb: {  	[smem:$0x3FAD] =	sst s3  }
0xc: {  	[smem:$0x3FAE] =	sst s4  }
0xd: {  	[smem:$0x3FAF] =	sst s5  }
0xe: {  	[smem:$0x3FB0] =	sst s6  }
0xf: {  	[smem:$0x3FB1] =	sst s7  }
0x10: {  	[smem:$0x3FB2] =	sst s8  }
0x11: {  	[smem:$0x3FB3] =	sst s9;
	s0 =	simm.s32 @!p0 $0x0  }
0x12: {  	s1 =	sld [smem:$0x3F99];
	s0 =	simm.s32 @p0 $0x1  }
0x13: {  	[smem:$0x3FB4] =	sst s0;
	s0 =	simm.s32 @!p1 $0x0  }
0x14: {  	s2 =	sld [smem:$0x3F98];
	s0 =	simm.s32 @p1 $0x1  }
0x15: {  	[smem:$0x3FB5] =	sst s0;
	s0 =	simm.s32 @!p2 $0x0  }
0x16: {  	s3 =	sld [smem:$0x3FDB];
	s0 =	simm.s32 @p2 $0x1  }
0x17: {  	s4 =	simm.s32 $0x1BF5;
	[smem:$0x3FB7] =	sst s0  }
0x18: {  	s0 =	sld [smem:$0x3F9A];
	_ =	swait.ge [sflag:s4], $0x0  }
0x19: {  	s7 =	sld [smem:$0x3F9B]  }
0x1a: {  	s8 =	sadd.s32 $0xFFFFE003, lr  }
0x1b: {  	s9 =	sadd.s32 $0xFFFFFEF7, lr;
	s5 =	simm.s32 $0xFFFFFFFF;
	p2 =	slt.u32 s8, $0xFFFFF086  }
0x1c: {  	p1 =	slt.u32 s9, $0xF7A;
	s5 =	simm.s32 @!p2 $0x0  }
0x1d: {  	s5 =	simm.s32 @p1 $0x1;
	p0 =	seq.s32 s7, s2  }
0x1e: {  	s7 =	smul.u32 @!p0 $0xF7A, s2;
	p2 =	seq.s32 @!p0 s5, $0x0  }
0x1f: {  	s9 =	smul.u32 $0xF7A, s1;
	s8 =	simm.s32 @!p0 $0x1BF5;
	p2 =	por !p2, p0  }
0x20: {  	[sflag:s8] =	ssyncset.s32 @!p0 $0xFFFFF086;
	s6 =	sadd.s32 @!p0 s3, s7;
	s7 =	simm.s32 @!p0 $0x108  }
0x21: {  	s3 =	sadd.s32 s3, s9;
	s6 =	sadd.s32 @!p0 $0x88, s6;
	s7 =	simm.s32 @p2 $0x1082  }
0x22: {  	[simem:s7], [sflag:s8] =	dma.local @!p0 [hbm:s6], $0xF7A  }
0x23: {  	s9 =	sor.u32 $0xD0000000, s2;
	s6 =	simm.s32 $0x108;
	_ =	swait.ge @!p0 [sflag:s8], $0x0  }
0x24: {  	s3 =	sadd.s32 $0x88, s3;
	s6 =	simm.s32 @!p1 $0x1082;
	[sflag:s4] =	ssyncset.s32 $0xFFFFF086  }
0x25: {  	[simem:s6], [sflag:s4] =	dma.local [hbm:s3], $0xF7A  }
0x26: {  	[smem:$0x3F9B] =	sst s1;
	(tag) =	ssettag s2;
	_ =	strace s9  }
0x27: {  	s1 =	sld [smem:$0x3FAB]  }
0x28: {  	s2 =	sld [smem:$0x3FAC]  }
0x29: {  	s4 =	sld [smem:$0x3FAE]  }
0x2a: {  	p0 =	seq.s32 s5, $0x0;
	s5 =	sld [smem:$0x3FAF]  }
0x2b: {  	s6 =	sld [smem:$0x3FB0]  }
0x2c: {  	s7 =	sld [smem:$0x3FB1]  }
0x2d: {  	s3 =	simm.s32 $0x108;
	s8 =	sld [smem:$0x3FB2]  }
0x2e: {  	s3 =	simm.s32 @!p0 $0x1082;
	s9 =	sld [smem:$0x3FB3]  }
0x2f: {  	lr =	sadd.s32 s0, s3;
	s0 =	sld [smem:$0x3FAA]  }
0x30: {  	s3 =	sld [smem:$0x3FAD]  }
0x31: {  	[smem:$0x3FB6] =	sst s10  }
0x32: {  	s10 =	sld [smem:$0x3FB4];
	_ =	sdelay $0x3  }
0x33: {  	p0 =	seq.s32 s10, $0x1;
	s10 =	sld [smem:$0x3FB6];
	_ =	sdelay $0x3  }
0x34: {  	[smem:$0x3FB6] =	sst s10  }
0x35: {  	s10 =	sld [smem:$0x3FB5];
	_ =	sdelay $0x3  }
0x36: {  	p1 =	seq.s32 s10, $0x1;
	s10 =	sld [smem:$0x3FB6];
	_ =	sdelay $0x3  }
0x37: {  	[smem:$0x3FB6] =	sst s10  }
0x38: {  	s10 =	sld [smem:$0x3FB7]  }
0x39: {  	_ = 	snop;
	(pc) =	sbr.ind lr, $3  }
0x3a: {  	_ = 	snop  }
0x3b: {  	_ = 	snop  }
0x3c: {  	p2 =	seq.s32 s10, $0x1;
	s10 =	sld [smem:$0x3FB6]  }
0x3d: {  	_ =	shalt  }
0x3e: {  	_ =	shalt  }
0x3f: {  	_ =	shalt  }
0x40: {  	_ =	shalt  }
0x41: {  	_ =	shalt  }
0x42: {  	_ =	shalt  }
0x43: {  	_ =	shalt  }
0x44: {  	_ =	shalt  }
0x45: {  	_ =	shalt  }
0x46: {  	_ =	shalt  }
0x47: {  	_ =	shalt  }
0x48: {  	_ =	shalt  }
0x49: {  	_ =	shalt  }
0x4a: {  	_ =	shalt  }
0x4b: {  	_ =	shalt  }
0x4c: {  	_ =	shalt  }
0x4d: {  	_ =	shalt  }
0x4e: {  	_ =	shalt  }
0x4f: {  	_ =	shalt  }
0x50: {  	_ =	shalt  }
0x51: {  	_ =	shalt  }
0x52: {  	_ =	shalt  }
0x53: {  	_ =	shalt  }
0x54: {  	_ =	shalt  }
0x55: {  	_ =	shalt  }
0x56: {  	_ =	shalt  }
0x57: {  	_ =	shalt  }
0x58: {  	_ =	shalt  }
0x59: {  	_ =	shalt  }
0x5a: {  	_ =	shalt  }
0x5b: {  	_ =	shalt  }
0x5c: {  	_ =	shalt  }
0x5d: {  	_ =	shalt  }
0x5e: {  	_ =	shalt  }
0x5f: {  	_ =	shalt  }
0x60: {  	_ =	shalt  }
0x61: {  	_ =	shalt  }
0x62: {  	_ =	shalt  }
0x63: {  	_ =	shalt  }
0x64: {  	_ =	shalt  }
0x65: {  	_ =	shalt  }
0x66: {  	_ =	shalt  }
0x67: {  	_ =	shalt  }
0x68: {  	_ =	shalt  }
0x69: {  	_ =	shalt  }
0x6a: {  	_ =	shalt  }
0x6b: {  	_ =	shalt  }
0x6c: {  	_ =	shalt  }
0x6d: {  	_ =	shalt  }
0x6e: {  	_ =	shalt  }
0x6f: {  	_ =	shalt  }
0x70: {  	_ =	shalt  }
0x71: {  	_ =	shalt  }
0x72: {  	_ =	shalt  }
0x73: {  	_ =	shalt  }
0x74: {  	_ =	shalt  }
0x75: {  	_ =	shalt  }
0x76: {  	_ =	shalt  }
0x77: {  	_ =	shalt  }
0x78: {  	_ =	shalt  }
0x79: {  	_ =	shalt  }
0x7a: {  	_ =	shalt  }
0x7b: {  	_ =	shalt  }
0x7c: {  	_ =	shalt  }
0x7d: {  	_ =	shalt  }
0x7e: {  	_ =	shalt  }
0x7f: {  	_ =	shalt  }
0x80: {  	_ =	shalt  }
0x81: {  	_ =	shalt  }
0x82: {  	_ =	shalt  }
0x83: {  	_ =	shalt  }
0x84: {  	_ =	shalt  }
0x85: {  	_ =	shalt  }
0x86: {  	_ =	shalt  }
0x87: {  	_ =	shalt  }
.Lfunc_end0:
.L_simem_size_0:
called_computation_lowered:
.L_overlay_start_0:
0x88: {  	s2 =	sld [smem:$0x3FD9]  }
0x89: {  	s3 =	sld [smem:$0x3FFE];
	_ =	sdelay $0x1  }
0x8a: {  	s1 =	srdreg.scid  }
0x8b: {  	s0 =	sand.u32 $0x1, s1  }
0x8c: {  	s17 =	sshll.u32 s0, $0xA;
	s2 =	sadd.s32 s3, s2  }
0x8d: {  	s2 =	sadd.s32 s2, s17  }
0x8e: {  	[smem:$0x3FC2] =	sst s2  }
0x8f: {  	_ = 	snop  }
0x90: {  	s2 =	sld [smem:$0x3FD0];
	(tm) =	ssettm $0x1  }
0x91: {  	s18 =	sld [smem:$0x3FFB];
	_ =	sdelay $0x3  }
0x92: {  	_ =	strace s18  }
0x93: {  	s3 =	sld [smem:$0x3FFC];
	_ =	sdelay $0x3  }
0x94: {  	_ =	strace s3  }
0x95: {  	s3 =	sld [smem:$0x3FFD];
	_ =	sdelay $0x3  }
0x96: {  	_ =	strace s3  }
0x97: {  	_ =	strace $0x8FFFFFFF  }
0x98: {  	s19 =	sld [smem:$0x3FDB];
	_ =	sdelay $0x1  }
0x99: {  	s4 =	simm.s32 $_scs_section_size  }
0x9a: {  	s5 =	simm.s32 $_size__tile_overlayer_lowered;
	s6 =	simm.s32 $_tile_overlayer_lowered  }
0x9b: {  	s22 =	simm.s32 $0x1BFF;
	s21 =	sshll.u32 s6, $0x1;
	s3 =	sadd.s32 s4, s19  }
0x9c: {  	s7 =	simm.s32 $0x0;
	s20 =	sshll.u32 s5, $0x1;
	s5 =	sadd.s32 s21, s3  }
0x9d: {  	[timem:s7], [sflag:s22] =	dma.local [hbm:s5], s20  }
0x9e: {  	_ =	swait.ge [sflag:s22], s20  }
0x9f: {  	s4 =	ssub.s32 $0x0, s20;
	[sflag:s22] =	ssyncset.done $0x0  }
0xa0: {  	[sflag:s22] =	ssyncadd.s32 s4;
	_ =	sdelay $0x1  }
0xa1: {  	s23 =	simm.s32 $0x1B8B  }
0xa2: {  	_ =	swait.ge [sflag:s23], $0x1  }
0xa3: {  	[sflag:s23] =	ssyncset.done $0x0  }
0xa4: {  	s25 =	simm.s32 $0x1B8E;
	s24 =	sld [smem:$0x3FFE];
	[sflag:s23] =	ssyncadd.s32 $0xFFFFFFFF  }
0xa5: {  	s26 =	simm.s32 $execute0_lowered;
	[smem:$0x3FD2] =	sst s25  }
0xa6: {  	s5 =	sshll.u32 s26, $0x1;
	_ =	strace $0x80000046;
	[dreg:$0x1] =	wrdreg $0xFFFFFFFF  }
0xa7: {  	s28 =	simm.s32 $_size_execute0_lowered;
	s3 =	sadd.s32 s3, s5;
	[dreg:$0x0] =	wrdreg $0x0  }
0xa8: {  	s5 =	sshll.u32 s28, $0x1;
	[dreg:$0x2] =	wrdreg s3  }
0xa9: {  	[dreg:$0x3] =	wrdreg s5  }
0xaa: {  	[dreg:$0x4] =	wrdreg $0xC0  }
0xab: {  	_ =	task [dreg:s7], $0x5FFFF  }
0xac: {  	[dreg:$0x1] =	wrdreg $0xFFFFFFFF  }
0xad: {  	[dreg:$0x0] =	wrdreg $0x60  }
0xae: {  	[dreg:$0x2] =	wrdreg s2  }
0xaf: {  	[dreg:$0x3] =	wrdreg s24  }
0xb0: {  	[dreg:$0x4] =	wrdreg $0x28800  }
0xb1: {  	[dreg:$0x5] =	wrdreg $0x9  }
0xb2: {  	_ =	task.clear_ibuf [dreg:s7], $0x6FFFF;
	_ =	strace $0x90000046  }
0xb3: {  	s29 =	simm.s32 $0x9;
	_ =	strace $0x80000048  }
0xb4: {  	_ =	swait.ge [sflag:s29], $0x1  }
0xb5: {  	[sflag:s29] =	ssyncadd.s32 $0xFFFFFFFF  }
0xb6: {  	_ =	strace $0x90000048  }
0xb7: {  	_ =	sfence  }
0xb8: {  	s30 =	sld [smem:$0x0];
	_ =	sdelay $0x2  }
0xb9: {  	s31 =	sshll.u32 s1, $0xD;
	s1 =	sshrl.u32 s1, $0x2  }
0xba: {  	s3 =	sand.u32 $0x4000, s31;
	s1 =	sadd.s32 s1, s30  }
0xbb: {  	s0 =	sor.u32 s3, s0;
	s1 =	sshll.u32 s1, $0x11  }
0xbc: {  	s0 =	sor.u32 s1, s0  }
0xbd: {  	s0 =	sadd.s32 $0x8F2B, s0  }
0xbe: {  	[sflag:s0] =	ssyncadd.remote.s32 $0x1  }
0xbf: {  	_ =	sfence.sel $0xFFFF  }
0xc0: {  	[dreg:$0x0] =	wrdreg $0xFFFFFFFF;
	(pc) =	sbr.abs _section_cstart, $3  }
0xc1: {  	[dreg:$0x1] =	wrdreg $0xFFFFFFFF  }
0xc2: {  	_ =	task.clear_ibuf [dreg:s7], $0x2FFFF;
	_ =	strace $0x9FFFFFFF  }
0xc3: {  	(tm) =	ssettm $0x7FFFFFFF  }
tec
execute0_lowered:
.L_overlay_start_1:
0x0: {  	(tag) =	ssettag $0x1  }
0x1: {  	s6 =	rddreg [dreg:$0x0]  }
0x2: {  	s4 =	rddreg [dreg:$0x1]  }
0x3: {  	s2 =	rddreg [dreg:$0x2]  }
0x4: {  	s0 =	stileid.u32;
	s7 =	srdreg.scid  }
0x5: {  	s1 =	rddreg [dreg:$0x3];
	s3 =	simm.s32 $0x0;
	s12 =	simm.s32 $0x2800  }
0x6: {  	s13 =	simm.s32 $0x0;
	s5 =	smul.u32 $0x280, s0;
	s7 =	sand.u32 $0x1, s7  }
0x7: {  	[smem:$0x7FF] =	sst s3;
	s31 =	sshll.u32 s0, $0x6;
	s9 =	smul.u32 $0x2800, s7  }
0x8: {  	_ =	strace $0x80000047;
	s10 =	ssub.s32 $0x2, s7;
	s7 =	sshll.u32 s7, $0x4  }
0x9: {  	s8 =	sshrl.u32 s5, $0x3;
	s11 =	sshrl.u32 s10, $0x1;
	s7 =	sor.u32 s0, s7  }
0xa: {  	s30 =	sadd.s32 s5, s2;
	s8 =	sadd.s32 s8, s4;
	s9 =	sadd.s32 s5, s9  }
0xb: {  	s10 =	ssub.s32 s10, s11;
	s7 =	smul.u32 $0x500, s7;
	s9 =	sshrl.u32 s9, $0x3  }
0xc: {  	s5 =	sor.u32 $0x1C01, s31;
	s11 =	simm.s32 $0x80;
	s9 =	sadd.s32 s9, s4  }
0xd: {  	s4 =	sadd.s32 $0x15C00, s8;
	s6 =	sadd.s32 s6, s7;
	s8 =	smax.u32 s10, $0x1  }
0xe: {  	v0 =	vimm.f32 $1.000000000e+00;
	s10 =	simm.s32 $0x1;
	s7 =	sadd.s32 $0x16200, s9;
	s9 =	sshrl.u32 s30, $0x3  }
.LBB2_1:
0xf: {  	[spmem:s9], [sflag:s5] =	dma.local [hbm:s4], $0x50  }
0x10: {  	_ =	swait.ge [sflag:s10], $0x50  }
0x11: {  	[sflag:s10] =	ssyncset.done $0x0  }
0x12: {  	[sflag:s10] =	ssyncadd.s32 $0xFFFFFFB0  }
0x13: {  	[tilespmem:s3], [sflag:$0x1] =	stream.linear.gather [hbm4b:s6+s3], $0x2780, $0x38;
	[tilespmem:$0x2B00] =	vst v63  }
0x14: {  	_ =	swait.ge [sflag:s10], $0x2780  }
0x15: {  	[sflag:s10] =	ssyncset.done $0x0  }
0x16: {  	[sflag:s10] =	ssyncadd.s32 $0xFFFFD880  }
0x17: {  	[tilespmem:$0x2800] =	vst v0  }
0x18: {  	[tilespmem:$0x2810] =	vst v0  }
0x19: {  	[tilespmem:$0x2820] =	vst v0  }
0x1a: {  	[tilespmem:$0x2830] =	vst v0  }
0x1b: {  	[tilespmem:$0x2840] =	vst v0  }
0x1c: {  	[tilespmem:$0x2850] =	vst v0  }
0x1d: {  	[tilespmem:$0x2860] =	vst v0  }
0x1e: {  	[tilespmem:$0x2870] =	vst v0  }
0x1f: {  	s14 =	simm.s32 $0x0;
	[bflag:$0x0] =	sbarrier.arrive $0xFFFF  }
0x20: {  	[spmem:s2] =	stream.indirect.scatter.add.f32 [tilespmem:s12], [sflag:$0x1], $0x1, s14, s11, $0xb8;
	[tilespmem:$0x2B00] =	vst v63  }
0x21: {  	_ =	swait.ge [sflag:s10], $0x80  }
0x22: {  	s14 =	simm.s32 $0x200;
	[sflag:s10] =	ssyncset.done $0x0  }
.LBB2_2:
0x23: {  	s15 =	sshra.s32 s14, $0x2;
	[sflag:s10] =	ssyncadd.s32 $0xFFFFFF80;
	p0 =	sne.s32 s14, $0x9C00  }
0x24: {  	[spmem:s2] =	stream.indirect.scatter.add.f32 [tilespmem:s12], [sflag:$0x1], $0x1, s15, s11, $0xb8;
	[tilespmem:$0x2B00] =	vst v63  }
.Ltmp0:
0x25: {  	_ = 	snop;
	(pc) =	sbr.rel @p0 .LBB2_2-.Ltmp0, $4  }
0x26: {  	_ = 	snop  }
0x27: {  	s14 =	sadd.s32 $0x200, s14  }
0x28: {  	_ =	swait.ge [sflag:s10], $0x80  }
0x29: {  	[sflag:s10] =	ssyncset.done $0x0  }
0x2a: {  	s13 =	sadd.s32 $0x1, s13  }
0x2b: {  	[sflag:s10] =	ssyncadd.s32 $0xFFFFFF80;
	p0 =	sne.s32 s13, s8  }
.Ltmp1:
0x2c: {  	[bflag:$0x0] =	sbarrier.arrive $0xFFFF;
	(pc) =	sbr.rel @p0 .LBB2_1-.Ltmp1, $4  }
0x2d: {  	[hbm:s7], [sflag:s5] =	dma.local [spmem:s9], $0x50  }
0x2e: {  	_ =	swait.ge [sflag:s10], $0x50  }
0x2f: {  	[sflag:s10] =	ssyncset.done $0x0  }
0x30: {  	[sflag:s10] =	ssyncadd.s32 $0xFFFFFFB0  }
0x31: {  	_ =	sfence.sel $0x180000  }
0x32: {  	[bflag:$0x0] =	sbarrier.arrive $0xFFFF  }
0x33: {  	p0 =	sne.s32 s0, $0x0;
	_ =	strace $0x90000047  }
0x34: {  	s0 =	sadd.s32 @!p0 $0x100000, s1;
	[bflag:$0x2] =	sbarrier.arrive $0xFFFF  }
0x35: {  	[sflag:s0] =	ssyncadd.tile.s32 @!p0 $0x1;
	_ =	shalt  }
.Lfunc_end2:
_tile_overlayer_lowered:
.L_overlay_start_2:
0x36: {  	(tag) =	ssettag $0x2  }
0x37: {  	s0 =	rddreg [dreg:$0x0];
	s2 =	stileid.u32  }
0x38: {  	s1 =	rddreg [dreg:$0x1];
	p0 =	sne.s32 s2, $0x0  }
0x39: {  	s3 =	rddreg [dreg:$0x2];
	[bflag:$0x3] =	sbarrier.arrive $0xFFFF;
	s2 =	simm.s32 @!p0 $0x1C01  }
0x3a: {  	[timem:s3], [sflag:s2] =	dma.local @!p0 [hbm:s0], s1  }
0x3b: {  	s0 =	simm.s32 @!p0 $0x1  }
0x3c: {  	_ =	swait.ge @!p0 [sflag:s0], s1  }
0x3d: {  	s1 =	ssub.s32 @!p0 $0x0, s1;
	[sflag:s0] =	ssyncset.done @!p0 $0x0  }
0x3e: {  	[sflag:s0] =	ssyncadd.s32 @!p0 s1  }
0x3f: {  	[bflag:$0x3] =	sbarrier.arrive $0xFFFF  }
0x40: {  	_ =	shalt  }

</sc_bundles>
